<compile_context>
chip_gen: v7x
topology: tpu7x:2x2x1
jax: 0.10.2.dev20260603
libtpu: 0.0.44.dev20260713+nightly
codegen_flags: <defaults>
</compile_context>

<pallas_src>
import functools

import jax
import jax.numpy as jnp
from jax import lax
from jax.experimental import pallas as pl
from jax.experimental.pallas import tpu as pltpu
from jax.experimental.pallas import tpu_sc as plsc

_N = 10000
_E = 320000
_D = 128
_H = 128
_C = 72
_EPS = 1e-5

_NC = 2
_NS = 16
_NW = _NC * _NS
_EPT = _E // _NW
_K = 125
_NCHUNK = _EPT // _K
_RPT = _N // _NS

_BR = 2000
_G = _N // _BR



def _deg_body(col_hbm, out_hbm, col_v, hist_v):
    c = lax.axis_index("c")
    s = lax.axis_index("s")
    wid = c * _NS + s
    pltpu.sync_copy(col_hbm.at[pl.ds(wid * _EPT, _EPT)], col_v)

    def zero_body(i, carry):
        hist_v[pl.ds(i * 16, 16)] = jnp.zeros((16,), jnp.float32)
        return carry

    lax.fori_loop(0, _N // 16, zero_body, 0)

    ones = jnp.ones((16,), jnp.float32)

    def body(i, carry):
        idx = col_v[pl.ds(i * 16, 16)]
        plsc.addupdate_scatter(hist_v, [idx], ones)
        return carry

    lax.fori_loop(0, _EPT // 16, body, 0)
    pltpu.sync_copy(hist_v, out_hbm.at[pl.ds(wid * _N, _N)])


@functools.cache
def _deg_call():
    return pl.kernel(
        _deg_body,
        out_type=jax.ShapeDtypeStruct((_NW * _N,), jnp.float32),
        mesh=plsc.VectorSubcoreMesh(core_axis_name="c", subcore_axis_name="s",
                                    num_cores=_NC, num_subcores=_NS),
        scratch_types=[
            pltpu.VMEM((_EPT,), jnp.int32),
            pltpu.VMEM((_N,), jnp.float32),
        ],
        compiler_params=pltpu.CompilerParams(needs_layout_passes=False),
    )


def _spmm_body(row2_hbm, col3_hbm, hs_hbm, z_hbm, out_hbm,
               row2_v, rows_a, rows_b, ci_a, ci_b, acc_sh,
               sem_a, sem_b, sem_ca, sem_cb):
    c = lax.axis_index("c")
    s = lax.axis_index("s")
    wid = c * _NS + s
    cbase = wid * _NCHUNK
    pltpu.sync_copy(row2_hbm.at[pl.ds(wid * _NCHUNK, _NCHUNK)], row2_v)
    pltpu.async_copy(hs_hbm.at[row2_v.at[0]], rows_a, sem_a)
    pltpu.async_copy(col3_hbm.at[cbase], ci_a, sem_ca)
    pltpu.sync_copy(z_hbm, acc_sh.at[pl.ds(s * _RPT, _RPT)])
    plsc.subcore_barrier()


    def body(j, carry):
        c0 = 2 * j
        c1 = c0 + 1
        pltpu.async_copy(hs_hbm.at[row2_v.at[c1]], rows_b, sem_b)
        pltpu.async_copy(col3_hbm.at[cbase + c1], ci_b, sem_cb)
        pltpu.make_async_copy(hs_hbm.at[row2_v.at[c0]], rows_a, sem_a).wait()
        pltpu.make_async_copy(col3_hbm.at[cbase], ci_a, sem_ca).wait()
        pltpu.sync_copy(rows_a, acc_sh.at[ci_a.at[0]], add=True)
        nxt = jnp.minimum(c0 + 2, _NCHUNK - 2)
        pltpu.async_copy(hs_hbm.at[row2_v.at[nxt]], rows_a, sem_a)
        pltpu.async_copy(col3_hbm.at[cbase + nxt], ci_a, sem_ca)
        pltpu.make_async_copy(hs_hbm.at[row2_v.at[c1]], rows_b, sem_b).wait()
        pltpu.make_async_copy(col3_hbm.at[cbase + c1], ci_b, sem_cb).wait()
        pltpu.sync_copy(rows_b, acc_sh.at[ci_b.at[0]], add=True)
        return carry

    lax.fori_loop(0, _NCHUNK // 2, body, 0)
    pltpu.make_async_copy(hs_hbm.at[row2_v.at[0]], rows_a, sem_a).wait()
    pltpu.make_async_copy(col3_hbm.at[cbase], ci_a, sem_ca).wait()
    plsc.subcore_barrier()
    pltpu.sync_copy(acc_sh.at[pl.ds(s * _RPT, _RPT)], out_hbm.at[wid])


@functools.cache
def _spmm_call():
    return pl.kernel(
        _spmm_body,
        out_type=jax.ShapeDtypeStruct((_NW, _RPT, _H), jnp.float32),
        mesh=plsc.VectorSubcoreMesh(core_axis_name="c", subcore_axis_name="s",
                                    num_cores=_NC, num_subcores=_NS),
        scratch_types=[
            pltpu.VMEM((_NCHUNK, _K), jnp.int32),
            pltpu.VMEM((_K, _H), jnp.float32),
            pltpu.VMEM((_K, _H), jnp.float32),
            pltpu.VMEM((1, _K), jnp.int32),
            pltpu.VMEM((1, _K), jnp.int32),
            pltpu.VMEM_SHARED((_N, _H), jnp.float32),
            pltpu.SemaphoreType.DMA,
            pltpu.SemaphoreType.DMA,
            pltpu.SemaphoreType.DMA,
            pltpu.SemaphoreType.DMA,
        ],
        compiler_params=pltpu.CompilerParams(needs_layout_passes=False),
    )


def _enc_body(x_ref, degp_ref, we_ref, be_ref, wg0_ref, hs0_ref, dinvb_ref):
    h = jnp.dot(x_ref[...], we_ref[...], preferred_element_type=jnp.float32)
    h = jnp.maximum(h + be_ref[...], 0.0)
    deg = jnp.sum(degp_ref[...], axis=1, keepdims=True) + 1.0
    dinvb = jnp.broadcast_to(lax.rsqrt(deg), (_BR, _H))
    dinvb_ref[...] = dinvb
    hw = jnp.dot(h, wg0_ref[...], preferred_element_type=jnp.float32)
    hs0_ref[...] = hw * dinvb


_row_spec = pl.BlockSpec((_BR, _H), lambda i: (i, 0))
_w_spec = pl.BlockSpec((_H, _H), lambda i: (0, 0))
_b_spec = pl.BlockSpec((1, _H), lambda i: (0, 0))

_enc_call = pl.pallas_call(
    _enc_body,
    grid=(_G,),
    in_specs=[
        pl.BlockSpec((_BR, _D), lambda i: (i, 0)),
        pl.BlockSpec((_BR, _NW), lambda i: (i, 0)),
        _w_spec, _b_spec, _w_spec,
    ],
    out_specs=[_row_spec, _row_spec],
    out_shape=[
        jax.ShapeDtypeStruct((_N, _H), jnp.float32),
        jax.ShapeDtypeStruct((_N, _H), jnp.float32),
    ],
)


def _layer_body(residual, pa_ref, pb_ref, hs_ref, dinvb_ref, b_ref,
                scale_ref, beta_ref, hprev_ref, wnext_ref,
                h_ref, hsnext_ref):
    agg = pa_ref[...] + pb_ref[...] + hs_ref[...]
    conv = agg * dinvb_ref[...] + b_ref[...]
    hn = jnp.maximum(conv * scale_ref[...] + beta_ref[...], 0.0)
    h = hn + hprev_ref[...] if residual else hn
    h_ref[...] = h
    hw = jnp.dot(h, wnext_ref[...], preferred_element_type=jnp.float32)
    hsnext_ref[...] = hw * dinvb_ref[...]


def _make_layer_call(residual):
    return pl.pallas_call(
        functools.partial(_layer_body, residual),
        grid=(_G,),
        in_specs=[
            pl.BlockSpec((_BR, _H), lambda i: (i, 0)),
            pl.BlockSpec((_BR, _H), lambda i: (i + _G, 0)),
            _row_spec, _row_spec, _b_spec, _b_spec, _b_spec,
            _row_spec, _w_spec,
        ],
        out_specs=[_row_spec, _row_spec],
        out_shape=[
            jax.ShapeDtypeStruct((_N, _H), jnp.float32),
            jax.ShapeDtypeStruct((_N, _H), jnp.float32),
        ],
    )


_layer0_call = _make_layer_call(False)
_layer1_call = _make_layer_call(True)


def _final_body(pa_ref, pb_ref, hs_ref, dinvb_ref, b_ref, scale_ref,
                beta_ref, hprev_ref, wc1_ref, bc1_ref, wc2_ref, bc2_ref,
                out_ref):
    agg = pa_ref[...] + pb_ref[...] + hs_ref[...]
    conv = agg * dinvb_ref[...] + b_ref[...]
    hn = jnp.maximum(conv * scale_ref[...] + beta_ref[...], 0.0)
    h = hn + hprev_ref[...]
    t = jnp.dot(h, wc1_ref[...], preferred_element_type=jnp.float32)
    t = jnp.maximum(t + bc1_ref[...], 0.0)
    out_ref[...] = jnp.dot(t, wc2_ref[...],
                           preferred_element_type=jnp.float32) + bc2_ref[...]


_final_call = pl.pallas_call(
    _final_body,
    grid=(_G,),
    in_specs=[
        pl.BlockSpec((_BR, _H), lambda i: (i, 0)),
        pl.BlockSpec((_BR, _H), lambda i: (i + _G, 0)),
        _row_spec, _row_spec, _b_spec, _b_spec, _b_spec,
        _row_spec,
        pl.BlockSpec((_H, _H // 2), lambda i: (0, 0)),
        pl.BlockSpec((1, _H // 2), lambda i: (0, 0)),
        pl.BlockSpec((_H // 2, _C), lambda i: (0, 0)),
        pl.BlockSpec((1, _C), lambda i: (0, 0)),
    ],
    out_specs=pl.BlockSpec((_BR, _C), lambda i: (i, 0)),
    out_shape=jax.ShapeDtypeStruct((_N, _C), jnp.float32),
)


def kernel(x, edge_index, W_enc, b_enc, Wg0, bg0, g0, be0,
           Wg1, bg1, g1, be1, Wg2, bg2, g2, be2, Wc1, bc1, Wc2, bc2):
    row = edge_index[0]
    col = edge_index[1]
    row2 = row.reshape(_NW * _NCHUNK, _K)
    col3 = col.reshape(_NW * _NCHUNK, 1, _K)
    z = jnp.zeros((_RPT, _H), jnp.float32)

    bn_scale = 1.0 / jnp.sqrt(jnp.float32(1.0 + _EPS))
    b_enc2 = b_enc.reshape(1, _H)
    bg = [b.reshape(1, _H) for b in (bg0, bg1, bg2)]
    sc = [(g * bn_scale).reshape(1, _H) for g in (g0, g1, g2)]
    be = [b.reshape(1, _H) for b in (be0, be1, be2)]

    degt = _deg_call()(col).reshape(_NW, _N).T

    spmm = _spmm_call()
    hs0, dinvb = _enc_call(x, degt, W_enc, b_enc2, Wg0)
    p0 = spmm(row2, col3, hs0, z).reshape(_NC * _N, _H)
    h1, hs1 = _layer0_call(p0, p0, hs0, dinvb, bg[0], sc[0], be[0], hs0, Wg1)
    p1 = spmm(row2, col3, hs1, z).reshape(_NC * _N, _H)
    h2, hs2 = _layer1_call(p1, p1, hs1, dinvb, bg[1], sc[1], be[1], h1, Wg2)
    p2 = spmm(row2, col3, hs2, z).reshape(_NC * _N, _H)
    return _final_call(p2, p2, hs2, dinvb, bg[2], sc[2], be[2], h2,
                       Wc1, bc1.reshape(1, -1), Wc2, bc2.reshape(1, -1))

# --- scband reference (transcript-rebuilt; emitter-appended) ---
"""Pipeline reference for scband-base-gnn-18545668784843 (READ-ONLY COPY).

The authoritative reference and input builder live on the scoring server;
editing this copy changes nothing except your own understanding.
"""

import jax, jax.numpy as jnp
import numpy as np

N = 10000
E = 320000
D = 128
H = 128
C = 72
EPS = 1e-5


def setup_inputs(seed: int = 0) -> dict:
    key = jax.random.key(seed)
    ks = jax.random.split(key, 32)
    inp = {}
    inp["x"] = jax.random.normal(ks[0], (N, D), dtype=jnp.float32)
    inp["edge_index"] = jax.random.randint(ks[1], (2, E), 0, N, dtype=jnp.int32)
    # node encoder
    inp["W_enc"] = jax.random.normal(ks[2], (D, H), dtype=jnp.float32) * 0.05
    inp["b_enc"] = jax.random.normal(ks[3], (H,), dtype=jnp.float32) * 0.05
    # 3 GCN layers + batchnorm params (eval mode: running mean 0, var 1)
    for i in range(3):
        inp[f"Wg{i}"] = jax.random.normal(ks[4 + 4 * i], (H, H), dtype=jnp.float32) * 0.05
        inp[f"bg{i}"] = jax.random.normal(ks[5 + 4 * i], (H,), dtype=jnp.float32) * 0.05
        inp[f"g{i}"] = 1.0 + jax.random.normal(ks[6 + 4 * i], (H,), dtype=jnp.float32) * 0.05
        inp[f"be{i}"] = jax.random.normal(ks[7 + 4 * i], (H,), dtype=jnp.float32) * 0.05
    # classifier
    inp["Wc1"] = jax.random.normal(ks[20], (H, H // 2), dtype=jnp.float32) * 0.05
    inp["bc1"] = jax.random.normal(ks[21], (H // 2,), dtype=jnp.float32) * 0.05
    inp["Wc2"] = jax.random.normal(ks[22], (H // 2, C), dtype=jnp.float32) * 0.05
    inp["bc2"] = jax.random.normal(ks[23], (C,), dtype=jnp.float32) * 0.05
    return inp


def _gcn_conv(h, W, b, row, col):
    # GCNConv: x @ W, add self-loops, symmetric deg^-1/2 normalization, scatter-add, + bias
    hw = h @ W
    loop = jnp.arange(N, dtype=row.dtype)
    r = jnp.concatenate([row, loop])
    c = jnp.concatenate([col, loop])
    deg = jax.ops.segment_sum(jnp.ones(r.shape[0], dtype=h.dtype), c, num_segments=N)
    dinv = jnp.where(deg > 0, 1.0 / jnp.sqrt(deg), 0.0)
    norm = dinv[r] * dinv[c]
    msg = hw[r] * norm[:, None]
    out = jax.ops.segment_sum(msg, c, num_segments=N)
    return out + b


def reference(x, edge_index, W_enc, b_enc, Wg0, bg0, g0, be0, Wg1, bg1, g1, be1, Wg2, bg2, g2, be2, Wc1, bc1, Wc2, bc2):
    row, col = edge_index[0], edge_index[1]
    h = jax.nn.relu(x @ W_enc + b_enc)
    # dropout is a no-op in eval mode
    convs = [(Wg0, bg0, g0, be0), (Wg1, bg1, g1, be1), (Wg2, bg2, g2, be2)]
    for i, (W, b, g, be) in enumerate(convs):
        hn = _gcn_conv(h, W, b, row, col)
        # BatchNorm1d eval: running_mean=0, running_var=1
        hn = hn / jnp.sqrt(1.0 + EPS) * g + be
        hn = jax.nn.relu(hn)
        h = h + hn if i > 0 else hn
    out = jax.nn.relu(h @ Wc1 + bc1) @ Wc2 + bc2
    return out

if __name__ == "__main__":
    import jax
    _d = setup_inputs()
    print(jax.jit(kernel)(*tuple(_d.values())))

</pallas_src>

<mosaic_0001>
#map = affine_map<(d0, d1) -> (0)>
module attributes {stable_mosaic.version = 14 : i64} {
  func.func @_deg_body(%arg0: i32, %arg1: i32, %arg2: memref<320000xi32, #tpu.memory_space<hbm>>, %arg3: memref<320000xf32, #tpu.memory_space<hbm>>, %arg4: memref<10000xi32, #tpu.memory_space<vmem>>, %arg5: memref<10000xf32, #tpu.memory_space<vmem>>) attributes {dimension_semantics = [#tpu.dimension_semantics<core_parallel>, #tpu.dimension_semantics<subcore_parallel>], iteration_bounds = array<i64: 2, 16>, scalar_prefetch = 0 : i64, scratch_operands = 2 : i64, tpu.core_type = #tpu.core_type<sc_vector_subcore>, window_params = [{transform_indices = #map}, {transform_indices = #map}]} {
    %mul3A = arith.constant 16 : i32
    %mul3A_0 = arith.muli %arg0, %mul3A : i32
    %add3A = arith.addi %mul3A_0, %arg1 : i32
    %mul3A_1 = arith.constant 10000 : i32
    %mul3A_2 = arith.muli %add3A, %mul3A_1 : i32
    "tpu.region"() ({
      %run_scoped3A = tpu.sem_alloc : memref<!tpu.dma_semaphore, #tpu.memory_space<semaphore_mem>>
      %dma_start3A = tpu.memref_slice %arg2[%mul3A_2] : memref<320000xi32, #tpu.memory_space<hbm>> -> memref<10000xi32, #tpu.memory_space<hbm>>
      %dma_start3A_17 = tpu.memref_slice %arg2[%mul3A_2] : memref<320000xi32, #tpu.memory_space<hbm>> -> memref<10000xi32, #tpu.memory_space<hbm>>
      tpu.enqueue_dma source(%dma_start3A_17 : memref<10000xi32, #tpu.memory_space<hbm>>) target(%arg4 : memref<10000xi32, #tpu.memory_space<vmem>>) target_semaphore(%run_scoped3A : memref<!tpu.dma_semaphore, #tpu.memory_space<semaphore_mem>>)
      %dma_wait3A = tpu.memref_slice %arg2[%mul3A_2] : memref<320000xi32, #tpu.memory_space<hbm>> -> memref<10000xi32, #tpu.memory_space<hbm>>
      %dma_wait3A_18 = tpu.memref_slice %arg2[%mul3A_2] : memref<320000xi32, #tpu.memory_space<hbm>> -> memref<10000xi32, #tpu.memory_space<hbm>>
      tpu.wait_dma2 semaphore(%run_scoped3A : memref<!tpu.dma_semaphore, #tpu.memory_space<semaphore_mem>>) src(%dma_wait3A_18 : memref<10000xi32, #tpu.memory_space<hbm>>) dst(%arg4 : memref<10000xi32, #tpu.memory_space<vmem>>)
      tpu.yield
    }) : () -> ()
    %scan3A = arith.constant 0 : i32
    %scan3A_3 = arith.constant 0 : i32
    %scan3A_4 = arith.constant 625 : i32
    %scan3A_5 = arith.addi %scan3A_3, %scan3A_4 : i32
    %scan3A_6 = arith.constant 1 : i32
    scf.for %scan3A_17 = %scan3A_3 to %scan3A_5 step %scan3A_6  : i32 {
      %broadcast_in_dim3A_18 = arith.constant 0.000000e+00 : f32
      %broadcast_in_dim3A_19 = vector.broadcast %broadcast_in_dim3A_18 : f32 to vector<16xf32>
      %mul3A_20 = arith.constant 16 : i32
      %mul3A_21 = arith.muli %scan3A_17, %mul3A_20 : i32
      %swap3A = arith.index_cast %mul3A_21 : i32 to index
      %swap3A_22 = tpu.vector_load %arg5[%swap3A] {strides = array<i32>} : memref<10000xf32, #tpu.memory_space<vmem>>, vector<16xf32>,
      tpu.vector_store %arg5[%swap3A], %broadcast_in_dim3A_19 {strides = array<i32>} : memref<10000xf32, #tpu.memory_space<vmem>>, vector<16xf32>,
    }
    %scan3A_7 = arith.constant 625 : i32
    %broadcast_in_dim3A = arith.constant 1.000000e+00 : f32
    %broadcast_in_dim3A_8 = vector.broadcast %broadcast_in_dim3A : f32 to vector<16xf32>
    %scan3A_9 = arith.constant 0 : i32
    %scan3A_10 = arith.constant 0 : i32
    %scan3A_11 = arith.constant 625 : i32
    %scan3A_12 = arith.addi %scan3A_10, %scan3A_11 : i32
    %scan3A_13 = arith.constant 1 : i32
    scf.for %scan3A_17 = %scan3A_10 to %scan3A_12 step %scan3A_13  : i32 {
      %mul3A_18 = arith.constant 16 : i32
      %mul3A_19 = arith.muli %scan3A_17, %mul3A_18 : i32
      %get3A = arith.index_cast %mul3A_19 : i32 to index
      %get3A_20 = tpu.vector_load %arg4[%get3A] {strides = array<i32>} : memref<10000xi32, #tpu.memory_space<vmem>>, vector<16xi32>,
      tpu.vector_store_idx %arg5[%get3A_20], %broadcast_in_dim3A_8 {add = true} : memref<10000xf32, #tpu.memory_space<vmem>>[vector<16xi32>], vector<16xf32>,
    }
    %scan3A_14 = arith.constant 625 : i32
    %mul3A_15 = arith.constant 10000 : i32
    %mul3A_16 = arith.muli %add3A, %mul3A_15 : i32
    "tpu.region"() ({
      %run_scoped3A = tpu.sem_alloc : memref<!tpu.dma_semaphore, #tpu.memory_space<semaphore_mem>>
      %dma_start3A = tpu.memref_slice %arg3[%mul3A_16] : memref<320000xf32, #tpu.memory_space<hbm>> -> memref<10000xf32, #tpu.memory_space<hbm>>
      %dma_start3A_17 = tpu.memref_slice %arg3[%mul3A_16] : memref<320000xf32, #tpu.memory_space<hbm>> -> memref<10000xf32, #tpu.memory_space<hbm>>
      tpu.enqueue_dma source(%arg5 : memref<10000xf32, #tpu.memory_space<vmem>>) target(%dma_start3A_17 : memref<10000xf32, #tpu.memory_space<hbm>>) target_semaphore(%run_scoped3A : memref<!tpu.dma_semaphore, #tpu.memory_space<semaphore_mem>>)
      %dma_wait3A = tpu.memref_slice %arg3[%mul3A_16] : memref<320000xf32, #tpu.memory_space<hbm>> -> memref<10000xf32, #tpu.memory_space<hbm>>
      %dma_wait3A_18 = tpu.memref_slice %arg3[%mul3A_16] : memref<320000xf32, #tpu.memory_space<hbm>> -> memref<10000xf32, #tpu.memory_space<hbm>>
      tpu.wait_dma2 semaphore(%run_scoped3A : memref<!tpu.dma_semaphore, #tpu.memory_space<semaphore_mem>>) src(%arg5 : memref<10000xf32, #tpu.memory_space<vmem>>) dst(%dma_wait3A_18 : memref<10000xf32, #tpu.memory_space<hbm>>)
      tpu.yield
    }) : () -> ()
    return
  }
}

#map = affine_map<(d0, d1) -> (0, 0)>
#map1 = affine_map<(d0, d1) -> (0, 0, 0)>
module attributes {stable_mosaic.version = 14 : i64} {
  func.func @_spmm_body(%arg0: i32, %arg1: i32, %arg2: memref<2560x125xi32, #tpu.memory_space<hbm>>, %arg3: memref<2560x1x125xi32, #tpu.memory_space<hbm>>, %arg4: memref<10000x128xf32, #tpu.memory_space<hbm>>, %arg5: memref<625x128xf32, #tpu.memory_space<hbm>>, %arg6: memref<32x625x128xf32, #tpu.memory_space<hbm>>, %arg7: memref<80x125xi32, #tpu.memory_space<vmem>>, %arg8: memref<125x128xf32, #tpu.memory_space<vmem>>, %arg9: memref<125x128xf32, #tpu.memory_space<vmem>>, %arg10: memref<1x125xi32, #tpu.memory_space<vmem>>, %arg11: memref<1x125xi32, #tpu.memory_space<vmem>>, %arg12: memref<10000x128xf32, #tpu.memory_space<vmem_shared>>, %arg13: memref<!tpu.dma_semaphore, #tpu.memory_space<semaphore_mem>>, %arg14: memref<!tpu.dma_semaphore, #tpu.memory_space<semaphore_mem>>, %arg15: memref<!tpu.dma_semaphore, #tpu.memory_space<semaphore_mem>>, %arg16: memref<!tpu.dma_semaphore, #tpu.memory_space<semaphore_mem>>) attributes {dimension_semantics = [#tpu.dimension_semantics<core_parallel>, #tpu.dimension_semantics<subcore_parallel>], iteration_bounds = array<i64: 2, 16>, scalar_prefetch = 0 : i64, scratch_operands = 10 : i64, tpu.core_type = #tpu.core_type<sc_vector_subcore>, window_params = [{transform_indices = #map}, {transform_indices = #map1}, {transform_indices = #map}, {transform_indices = #map}, {transform_indices = #map1}]} {
    %mul3A = arith.constant 16 : i32
    %mul3A_0 = arith.muli %arg0, %mul3A : i32
    %add3A = arith.addi %mul3A_0, %arg1 : i32
    %mul3A_1 = arith.constant 80 : i32
    %mul3A_2 = arith.muli %add3A, %mul3A_1 : i32
    %mul3A_3 = arith.constant 80 : i32
    %mul3A_4 = arith.muli %add3A, %mul3A_3 : i32
    "tpu.region"() ({
      %run_scoped3A = tpu.sem_alloc : memref<!tpu.dma_semaphore, #tpu.memory_space<semaphore_mem>>
      %dma_start3A_43 = arith.constant 0 : i32
      %dma_start3A_44 = tpu.memref_slice %arg2[%mul3A_4, %dma_start3A_43] : memref<2560x125xi32, #tpu.memory_space<hbm>> -> memref<80x125xi32, #tpu.memory_space<hbm>>
      %dma_start3A_45 = arith.constant 0 : i32
      %dma_start3A_46 = tpu.memref_slice %arg2[%mul3A_4, %dma_start3A_45] : memref<2560x125xi32, #tpu.memory_space<hbm>> -> memref<80x125xi32, #tpu.memory_space<hbm>>
      tpu.enqueue_dma source(%dma_start3A_46 : memref<80x125xi32, #tpu.memory_space<hbm>>) target(%arg7 : memref<80x125xi32, #tpu.memory_space<vmem>>) target_semaphore(%run_scoped3A : memref<!tpu.dma_semaphore, #tpu.memory_space<semaphore_mem>>)
      %dma_wait3A_47 = arith.constant 0 : i32
      %dma_wait3A_48 = tpu.memref_slice %arg2[%mul3A_4, %dma_wait3A_47] : memref<2560x125xi32, #tpu.memory_space<hbm>> -> memref<80x125xi32, #tpu.memory_space<hbm>>
      %dma_wait3A_49 = arith.constant 0 : i32
      %dma_wait3A_50 = tpu.memref_slice %arg2[%mul3A_4, %dma_wait3A_49] : memref<2560x125xi32, #tpu.memory_space<hbm>> -> memref<80x125xi32, #tpu.memory_space<hbm>>
      tpu.wait_dma2 semaphore(%run_scoped3A : memref<!tpu.dma_semaphore, #tpu.memory_space<semaphore_mem>>) src(%dma_wait3A_50 : memref<80x125xi32, #tpu.memory_space<hbm>>) dst(%arg7 : memref<80x125xi32, #tpu.memory_space<vmem>>)
      tpu.yield
    }) : () -> ()
    %dma_start3A = arith.constant 0 : i32
    %dma_start3A_5 = arith.constant 0 : i32
    %dma_start3A_6 = tpu.memref_slice %arg7[%dma_start3A, %dma_start3A_5] : memref<80x125xi32, #tpu.memory_space<vmem>> -> memref<1x125xi32, #tpu.memory_space<vmem>>
    %dma_start3A_7 = tpu.memref_squeeze %dma_start3A_6 : memref<1x125xi32, #tpu.memory_space<vmem>> -> memref<125xi32, #tpu.memory_space<vmem>>
    %dma_start3A_8 = arith.constant 0 : i32
    %dma_start3A_9 = arith.constant 0 : i32
    %dma_start3A_10 = tpu.memref_slice %arg4[%dma_start3A_8, %dma_start3A_9] : memref<10000x128xf32, #tpu.memory_space<hbm>> -> memref<10000x128xf32, #tpu.memory_space<hbm>>
    tpu.enqueue_indirect_dma source(%dma_start3A_10 : memref<10000x128xf32, #tpu.memory_space<hbm>>) target(%arg8 : memref<125x128xf32, #tpu.memory_space<vmem>>) offsets(%dma_start3A_7 : memref<125xi32, #tpu.memory_space<vmem>>) semaphore(%arg13 : memref<!tpu.dma_semaphore, #tpu.memory_space<semaphore_mem>>)
    %dma_start3A_11 = arith.constant 0 : i32
    %dma_start3A_12 = arith.constant 0 : i32
    %dma_start3A_13 = tpu.memref_slice %arg3[%mul3A_2, %dma_start3A_11, %dma_start3A_12] : memref<2560x1x125xi32, #tpu.memory_space<hbm>> -> memref<1x1x125xi32, #tpu.memory_space<hbm>>
    %dma_start3A_14 = tpu.memref_squeeze %dma_start3A_13 : memref<1x1x125xi32, #tpu.memory_space<hbm>> -> memref<1x125xi32, #tpu.memory_space<hbm>>
    %dma_start3A_15 = arith.constant 0 : i32
    %dma_start3A_16 = arith.constant 0 : i32
    %dma_start3A_17 = tpu.memref_slice %arg3[%mul3A_2, %dma_start3A_15, %dma_start3A_16] : memref<2560x1x125xi32, #tpu.memory_space<hbm>> -> memref<1x1x125xi32, #tpu.memory_space<hbm>>
    %dma_start3A_18 = tpu.memref_squeeze %dma_start3A_17 : memref<1x1x125xi32, #tpu.memory_space<hbm>> -> memref<1x125xi32, #tpu.memory_space<hbm>>
    tpu.enqueue_dma source(%dma_start3A_18 : memref<1x125xi32, #tpu.memory_space<hbm>>) target(%arg10 : memref<1x125xi32, #tpu.memory_space<vmem>>) target_semaphore(%arg15 : memref<!tpu.dma_semaphore, #tpu.memory_space<semaphore_mem>>)
    %mul3A_19 = arith.constant 625 : i32
    %mul3A_20 = arith.muli %arg1, %mul3A_19 : i32
    "tpu.region"() ({
      %run_scoped3A = tpu.sem_alloc : memref<!tpu.dma_semaphore, #tpu.memory_space<semaphore_mem>>
      %dma_start3A_43 = arith.constant 0 : i32
      %dma_start3A_44 = tpu.memref_slice %arg12[%mul3A_20, %dma_start3A_43] : memref<10000x128xf32, #tpu.memory_space<vmem_shared>> -> memref<625x128xf32, #tpu.memory_space<vmem_shared>>
      tpu.enqueue_dma source(%arg5 : memref<625x128xf32, #tpu.memory_space<hbm>>) target(%dma_start3A_44 : memref<625x128xf32, #tpu.memory_space<vmem_shared>>) target_semaphore(%run_scoped3A : memref<!tpu.dma_semaphore, #tpu.memory_space<semaphore_mem>>)
      %dma_wait3A_45 = arith.constant 0 : i32
      %dma_wait3A_46 = tpu.memref_slice %arg12[%mul3A_20, %dma_wait3A_45] : memref<10000x128xf32, #tpu.memory_space<vmem_shared>> -> memref<625x128xf32, #tpu.memory_space<vmem_shared>>
      tpu.wait_dma2 semaphore(%run_scoped3A : memref<!tpu.dma_semaphore, #tpu.memory_space<semaphore_mem>>) src(%arg5 : memref<625x128xf32, #tpu.memory_space<hbm>>) dst(%dma_wait3A_46 : memref<625x128xf32, #tpu.memory_space<vmem_shared>>)
      tpu.yield
    }) : () -> ()
    %barrier3A = arith.constant 0 : index
    tpu.barrier barrier_id(%barrier3A)
    %scan3A = arith.constant 0 : i32
    %scan3A_21 = arith.constant 0 : i32
    %scan3A_22 = arith.constant 40 : i32
    %scan3A_23 = arith.addi %scan3A_21, %scan3A_22 : i32
    %scan3A_24 = arith.constant 1 : i32
    scf.for %scan3A_43 = %scan3A_21 to %scan3A_23 step %scan3A_24  : i32 {
      %mul3A_44 = arith.constant 2 : i32
      %mul3A_45 = arith.muli %mul3A_44, %scan3A_43 : i32
      %add3A_46 = arith.constant 1 : i32
      %add3A_47 = arith.addi %mul3A_45, %add3A_46 : i32
      %dma_start3A_48 = arith.constant 0 : i32
      %dma_start3A_49 = tpu.memref_slice %arg7[%add3A_47, %dma_start3A_48] : memref<80x125xi32, #tpu.memory_space<vmem>> -> memref<1x125xi32, #tpu.memory_space<vmem>>
      %dma_start3A_50 = tpu.memref_squeeze %dma_start3A_49 : memref<1x125xi32, #tpu.memory_space<vmem>> -> memref<125xi32, #tpu.memory_space<vmem>>
      %dma_start3A_51 = arith.constant 0 : i32
      %dma_start3A_52 = arith.constant 0 : i32
      %dma_start3A_53 = tpu.memref_slice %arg4[%dma_start3A_51, %dma_start3A_52] : memref<10000x128xf32, #tpu.memory_space<hbm>> -> memref<10000x128xf32, #tpu.memory_space<hbm>>
      tpu.enqueue_indirect_dma source(%dma_start3A_53 : memref<10000x128xf32, #tpu.memory_space<hbm>>) target(%arg9 : memref<125x128xf32, #tpu.memory_space<vmem>>) offsets(%dma_start3A_50 : memref<125xi32, #tpu.memory_space<vmem>>) semaphore(%arg14 : memref<!tpu.dma_semaphore, #tpu.memory_space<semaphore_mem>>)
      %add3A_54 = arith.addi %mul3A_2, %add3A_47 : i32
      %dma_start3A_55 = arith.constant 0 : i32
      %dma_start3A_56 = arith.constant 0 : i32
      %dma_start3A_57 = tpu.memref_slice %arg3[%add3A_54, %dma_start3A_55, %dma_start3A_56] : memref<2560x1x125xi32, #tpu.memory_space<hbm>> -> memref<1x1x125xi32, #tpu.memory_space<hbm>>
      %dma_start3A_58 = tpu.memref_squeeze %dma_start3A_57 : memref<1x1x125xi32, #tpu.memory_space<hbm>> -> memref<1x125xi32, #tpu.memory_space<hbm>>
      %dma_start3A_59 = arith.constant 0 : i32
      %dma_start3A_60 = arith.constant 0 : i32
      %dma_start3A_61 = tpu.memref_slice %arg3[%add3A_54, %dma_start3A_59, %dma_start3A_60] : memref<2560x1x125xi32, #tpu.memory_space<hbm>> -> memref<1x1x125xi32, #tpu.memory_space<hbm>>
      %dma_start3A_62 = tpu.memref_squeeze %dma_start3A_61 : memref<1x1x125xi32, #tpu.memory_space<hbm>> -> memref<1x125xi32, #tpu.memory_space<hbm>>
      tpu.enqueue_dma source(%dma_start3A_62 : memref<1x125xi32, #tpu.memory_space<hbm>>) target(%arg11 : memref<1x125xi32, #tpu.memory_space<vmem>>) target_semaphore(%arg16 : memref<!tpu.dma_semaphore, #tpu.memory_space<semaphore_mem>>)
      %dma_wait3A_63 = arith.constant 0 : i32
      %dma_wait3A_64 = tpu.memref_slice %arg7[%mul3A_45, %dma_wait3A_63] : memref<80x125xi32, #tpu.memory_space<vmem>> -> memref<1x125xi32, #tpu.memory_space<vmem>>
      %dma_wait3A_65 = tpu.memref_squeeze %dma_wait3A_64 : memref<1x125xi32, #tpu.memory_space<vmem>> -> memref<125xi32, #tpu.memory_space<vmem>>
      %dma_wait3A_66 = arith.constant 0 : i32
      %dma_wait3A_67 = arith.constant 0 : i32
      %dma_wait3A_68 = tpu.memref_slice %arg4[%dma_wait3A_66, %dma_wait3A_67] : memref<10000x128xf32, #tpu.memory_space<hbm>> -> memref<10000x128xf32, #tpu.memory_space<hbm>>
      tpu.wait_indirect_dma semaphore(%arg13 : memref<!tpu.dma_semaphore, #tpu.memory_space<semaphore_mem>>) src(%dma_wait3A_68 : memref<10000x128xf32, #tpu.memory_space<hbm>>) dst(%arg8 : memref<125x128xf32, #tpu.memory_space<vmem>>)
      %dma_wait3A_69 = arith.constant 0 : i32
      %dma_wait3A_70 = arith.constant 0 : i32
      %dma_wait3A_71 = tpu.memref_slice %arg3[%mul3A_2, %dma_wait3A_69, %dma_wait3A_70] : memref<2560x1x125xi32, #tpu.memory_space<hbm>> -> memref<1x1x125xi32, #tpu.memory_space<hbm>>
      %dma_wait3A_72 = tpu.memref_squeeze %dma_wait3A_71 : memref<1x1x125xi32, #tpu.memory_space<hbm>> -> memref<1x125xi32, #tpu.memory_space<hbm>>
      %dma_wait3A_73 = arith.constant 0 : i32
      %dma_wait3A_74 = arith.constant 0 : i32
      %dma_wait3A_75 = tpu.memref_slice %arg3[%mul3A_2, %dma_wait3A_73, %dma_wait3A_74] : memref<2560x1x125xi32, #tpu.memory_space<hbm>> -> memref<1x1x125xi32, #tpu.memory_space<hbm>>
      %dma_wait3A_76 = tpu.memref_squeeze %dma_wait3A_75 : memref<1x1x125xi32, #tpu.memory_space<hbm>> -> memref<1x125xi32, #tpu.memory_space<hbm>>
      tpu.wait_dma2 semaphore(%arg15 : memref<!tpu.dma_semaphore, #tpu.memory_space<semaphore_mem>>) src(%dma_wait3A_76 : memref<1x125xi32, #tpu.memory_space<hbm>>) dst(%arg10 : memref<1x125xi32, #tpu.memory_space<vmem>>)
      %run_scoped3A = arith.constant 0 : i32
      "tpu.region"() ({
        %run_scoped3A_111 = tpu.sem_alloc : memref<!tpu.dma_semaphore, #tpu.memory_space<semaphore_mem>>
        %dma_start3A_112 = arith.constant 0 : i32
        %dma_start3A_113 = tpu.memref_slice %arg10[%run_scoped3A, %dma_start3A_112] : memref<1x125xi32, #tpu.memory_space<vmem>> -> memref<1x125xi32, #tpu.memory_space<vmem>>
        %dma_start3A_114 = tpu.memref_squeeze %dma_start3A_113 : memref<1x125xi32, #tpu.memory_space<vmem>> -> memref<125xi32, #tpu.memory_space<vmem>>
        %dma_start3A_115 = arith.constant 0 : i32
        %dma_start3A_116 = arith.constant 0 : i32
        %dma_start3A_117 = tpu.memref_slice %arg12[%dma_start3A_115, %dma_start3A_116] : memref<10000x128xf32, #tpu.memory_space<vmem_shared>> -> memref<10000x128xf32, #tpu.memory_space<vmem_shared>>
        tpu.enqueue_indirect_dma source(%arg8 : memref<125x128xf32, #tpu.memory_space<vmem>>) target(%dma_start3A_117 : memref<10000x128xf32, #tpu.memory_space<vmem_shared>>) offsets(%dma_start3A_114 : memref<125xi32, #tpu.memory_space<vmem>>) semaphore(%run_scoped3A_111 : memref<!tpu.dma_semaphore, #tpu.memory_space<semaphore_mem>>) {add = true}
        %dma_wait3A_118 = arith.constant 0 : i32
        %dma_wait3A_119 = tpu.memref_slice %arg10[%run_scoped3A, %dma_wait3A_118] : memref<1x125xi32, #tpu.memory_space<vmem>> -> memref<1x125xi32, #tpu.memory_space<vmem>>
        %dma_wait3A_120 = tpu.memref_squeeze %dma_wait3A_119 : memref<1x125xi32, #tpu.memory_space<vmem>> -> memref<125xi32, #tpu.memory_space<vmem>>
        %dma_wait3A_121 = arith.constant 0 : i32
        %dma_wait3A_122 = arith.constant 0 : i32
        %dma_wait3A_123 = tpu.memref_slice %arg12[%dma_wait3A_121, %dma_wait3A_122] : memref<10000x128xf32, #tpu.memory_space<vmem_shared>> -> memref<10000x128xf32, #tpu.memory_space<vmem_shared>>
        tpu.wait_indirect_dma semaphore(%run_scoped3A_111 : memref<!tpu.dma_semaphore, #tpu.memory_space<semaphore_mem>>) src(%arg8 : memref<125x128xf32, #tpu.memory_space<vmem>>) dst(%dma_wait3A_123 : memref<10000x128xf32, #tpu.memory_space<vmem_shared>>)
        tpu.yield
      }) : () -> ()
      %add3A_77 = arith.constant 2 : i32
      %add3A_78 = arith.addi %mul3A_45, %add3A_77 : i32
      %min3A = arith.constant 78 : i32
      %min3A_79 = arith.minsi %add3A_78, %min3A : i32
      %dma_start3A_80 = arith.constant 0 : i32
      %dma_start3A_81 = tpu.memref_slice %arg7[%min3A_79, %dma_start3A_80] : memref<80x125xi32, #tpu.memory_space<vmem>> -> memref<1x125xi32, #tpu.memory_space<vmem>>
      %dma_start3A_82 = tpu.memref_squeeze %dma_start3A_81 : memref<1x125xi32, #tpu.memory_space<vmem>> -> memref<125xi32, #tpu.memory_space<vmem>>
      %dma_start3A_83 = arith.constant 0 : i32
      %dma_start3A_84 = arith.constant 0 : i32
      %dma_start3A_85 = tpu.memref_slice %arg4[%dma_start3A_83, %dma_start3A_84] : memref<10000x128xf32, #tpu.memory_space<hbm>> -> memref<10000x128xf32, #tpu.memory_space<hbm>>
      tpu.enqueue_indirect_dma source(%dma_start3A_85 : memref<10000x128xf32, #tpu.memory_space<hbm>>) target(%arg8 : memref<125x128xf32, #tpu.memory_space<vmem>>) offsets(%dma_start3A_82 : memref<125xi32, #tpu.memory_space<vmem>>) semaphore(%arg13 : memref<!tpu.dma_semaphore, #tpu.memory_space<semaphore_mem>>)
      %add3A_86 = arith.addi %mul3A_2, %min3A_79 : i32
      %dma_start3A_87 = arith.constant 0 : i32
      %dma_start3A_88 = arith.constant 0 : i32
      %dma_start3A_89 = tpu.memref_slice %arg3[%add3A_86, %dma_start3A_87, %dma_start3A_88] : memref<2560x1x125xi32, #tpu.memory_space<hbm>> -> memref<1x1x125xi32, #tpu.memory_space<hbm>>
      %dma_start3A_90 = tpu.memref_squeeze %dma_start3A_89 : memref<1x1x125xi32, #tpu.memory_space<hbm>> -> memref<1x125xi32, #tpu.memory_space<hbm>>
      %dma_start3A_91 = arith.constant 0 : i32
      %dma_start3A_92 = arith.constant 0 : i32
      %dma_start3A_93 = tpu.memref_slice %arg3[%add3A_86, %dma_start3A_91, %dma_start3A_92] : memref<2560x1x125xi32, #tpu.memory_space<hbm>> -> memref<1x1x125xi32, #tpu.memory_space<hbm>>
      %dma_start3A_94 = tpu.memref_squeeze %dma_start3A_93 : memref<1x1x125xi32, #tpu.memory_space<hbm>> -> memref<1x125xi32, #tpu.memory_space<hbm>>
      tpu.enqueue_dma source(%dma_start3A_94 : memref<1x125xi32, #tpu.memory_space<hbm>>) target(%arg10 : memref<1x125xi32, #tpu.memory_space<vmem>>) target_semaphore(%arg15 : memref<!tpu.dma_semaphore, #tpu.memory_space<semaphore_mem>>)
      %dma_wait3A_95 = arith.constant 0 : i32
      %dma_wait3A_96 = tpu.memref_slice %arg7[%add3A_47, %dma_wait3A_95] : memref<80x125xi32, #tpu.memory_space<vmem>> -> memref<1x125xi32, #tpu.memory_space<vmem>>
      %dma_wait3A_97 = tpu.memref_squeeze %dma_wait3A_96 : memref<1x125xi32, #tpu.memory_space<vmem>> -> memref<125xi32, #tpu.memory_space<vmem>>
      %dma_wait3A_98 = arith.constant 0 : i32
      %dma_wait3A_99 = arith.constant 0 : i32
      %dma_wait3A_100 = tpu.memref_slice %arg4[%dma_wait3A_98, %dma_wait3A_99] : memref<10000x128xf32, #tpu.memory_space<hbm>> -> memref<10000x128xf32, #tpu.memory_space<hbm>>
      tpu.wait_indirect_dma semaphore(%arg14 : memref<!tpu.dma_semaphore, #tpu.memory_space<semaphore_mem>>) src(%dma_wait3A_100 : memref<10000x128xf32, #tpu.memory_space<hbm>>) dst(%arg9 : memref<125x128xf32, #tpu.memory_space<vmem>>)
      %add3A_101 = arith.addi %mul3A_2, %add3A_47 : i32
      %dma_wait3A_102 = arith.constant 0 : i32
      %dma_wait3A_103 = arith.constant 0 : i32
      %dma_wait3A_104 = tpu.memref_slice %arg3[%add3A_101, %dma_wait3A_102, %dma_wait3A_103] : memref<2560x1x125xi32, #tpu.memory_space<hbm>> -> memref<1x1x125xi32, #tpu.memory_space<hbm>>
      %dma_wait3A_105 = tpu.memref_squeeze %dma_wait3A_104 : memref<1x1x125xi32, #tpu.memory_space<hbm>> -> memref<1x125xi32, #tpu.memory_space<hbm>>
      %dma_wait3A_106 = arith.constant 0 : i32
      %dma_wait3A_107 = arith.constant 0 : i32
      %dma_wait3A_108 = tpu.memref_slice %arg3[%add3A_101, %dma_wait3A_106, %dma_wait3A_107] : memref<2560x1x125xi32, #tpu.memory_space<hbm>> -> memref<1x1x125xi32, #tpu.memory_space<hbm>>
      %dma_wait3A_109 = tpu.memref_squeeze %dma_wait3A_108 : memref<1x1x125xi32, #tpu.memory_space<hbm>> -> memref<1x125xi32, #tpu.memory_space<hbm>>
      tpu.wait_dma2 semaphore(%arg16 : memref<!tpu.dma_semaphore, #tpu.memory_space<semaphore_mem>>) src(%dma_wait3A_109 : memref<1x125xi32, #tpu.memory_space<hbm>>) dst(%arg11 : memref<1x125xi32, #tpu.memory_space<vmem>>)
      %run_scoped3A_110 = arith.constant 0 : i32
      "tpu.region"() ({
        %run_scoped3A_111 = tpu.sem_alloc : memref<!tpu.dma_semaphore, #tpu.memory_space<semaphore_mem>>
        %dma_start3A_112 = arith.constant 0 : i32
        %dma_start3A_113 = tpu.memref_slice %arg11[%run_scoped3A_110, %dma_start3A_112] : memref<1x125xi32, #tpu.memory_space<vmem>> -> memref<1x125xi32, #tpu.memory_space<vmem>>
        %dma_start3A_114 = tpu.memref_squeeze %dma_start3A_113 : memref<1x125xi32, #tpu.memory_space<vmem>> -> memref<125xi32, #tpu.memory_space<vmem>>
        %dma_start3A_115 = arith.constant 0 : i32
        %dma_start3A_116 = arith.constant 0 : i32
        %dma_start3A_117 = tpu.memref_slice %arg12[%dma_start3A_115, %dma_start3A_116] : memref<10000x128xf32, #tpu.memory_space<vmem_shared>> -> memref<10000x128xf32, #tpu.memory_space<vmem_shared>>
        tpu.enqueue_indirect_dma source(%arg9 : memref<125x128xf32, #tpu.memory_space<vmem>>) target(%dma_start3A_117 : memref<10000x128xf32, #tpu.memory_space<vmem_shared>>) offsets(%dma_start3A_114 : memref<125xi32, #tpu.memory_space<vmem>>) semaphore(%run_scoped3A_111 : memref<!tpu.dma_semaphore, #tpu.memory_space<semaphore_mem>>) {add = true}
        %dma_wait3A_118 = arith.constant 0 : i32
        %dma_wait3A_119 = tpu.memref_slice %arg11[%run_scoped3A_110, %dma_wait3A_118] : memref<1x125xi32, #tpu.memory_space<vmem>> -> memref<1x125xi32, #tpu.memory_space<vmem>>
        %dma_wait3A_120 = tpu.memref_squeeze %dma_wait3A_119 : memref<1x125xi32, #tpu.memory_space<vmem>> -> memref<125xi32, #tpu.memory_space<vmem>>
        %dma_wait3A_121 = arith.constant 0 : i32
        %dma_wait3A_122 = arith.constant 0 : i32
        %dma_wait3A_123 = tpu.memref_slice %arg12[%dma_wait3A_121, %dma_wait3A_122] : memref<10000x128xf32, #tpu.memory_space<vmem_shared>> -> memref<10000x128xf32, #tpu.memory_space<vmem_shared>>
        tpu.wait_indirect_dma semaphore(%run_scoped3A_111 : memref<!tpu.dma_semaphore, #tpu.memory_space<semaphore_mem>>) src(%arg9 : memref<125x128xf32, #tpu.memory_space<vmem>>) dst(%dma_wait3A_123 : memref<10000x128xf32, #tpu.memory_space<vmem_shared>>)
        tpu.yield
      }) : () -> ()
    }
    %scan3A_25 = arith.constant 40 : i32
    %dma_wait3A = arith.constant 0 : i32
    %dma_wait3A_26 = arith.constant 0 : i32
    %dma_wait3A_27 = tpu.memref_slice %arg7[%dma_wait3A, %dma_wait3A_26] : memref<80x125xi32, #tpu.memory_space<vmem>> -> memref<1x125xi32, #tpu.memory_space<vmem>>
    %dma_wait3A_28 = tpu.memref_squeeze %dma_wait3A_27 : memref<1x125xi32, #tpu.memory_space<vmem>> -> memref<125xi32, #tpu.memory_space<vmem>>
    %dma_wait3A_29 = arith.constant 0 : i32
    %dma_wait3A_30 = arith.constant 0 : i32
    %dma_wait3A_31 = tpu.memref_slice %arg4[%dma_wait3A_29, %dma_wait3A_30] : memref<10000x128xf32, #tpu.memory_space<hbm>> -> memref<10000x128xf32, #tpu.memory_space<hbm>>
    tpu.wait_indirect_dma semaphore(%arg13 : memref<!tpu.dma_semaphore, #tpu.memory_space<semaphore_mem>>) src(%dma_wait3A_31 : memref<10000x128xf32, #tpu.memory_space<hbm>>) dst(%arg8 : memref<125x128xf32, #tpu.memory_space<vmem>>)
    %dma_wait3A_32 = arith.constant 0 : i32
    %dma_wait3A_33 = arith.constant 0 : i32
    %dma_wait3A_34 = tpu.memref_slice %arg3[%mul3A_2, %dma_wait3A_32, %dma_wait3A_33] : memref<2560x1x125xi32, #tpu.memory_space<hbm>> -> memref<1x1x125xi32, #tpu.memory_space<hbm>>
    %dma_wait3A_35 = tpu.memref_squeeze %dma_wait3A_34 : memref<1x1x125xi32, #tpu.memory_space<hbm>> -> memref<1x125xi32, #tpu.memory_space<hbm>>
    %dma_wait3A_36 = arith.constant 0 : i32
    %dma_wait3A_37 = arith.constant 0 : i32
    %dma_wait3A_38 = tpu.memref_slice %arg3[%mul3A_2, %dma_wait3A_36, %dma_wait3A_37] : memref<2560x1x125xi32, #tpu.memory_space<hbm>> -> memref<1x1x125xi32, #tpu.memory_space<hbm>>
    %dma_wait3A_39 = tpu.memref_squeeze %dma_wait3A_38 : memref<1x1x125xi32, #tpu.memory_space<hbm>> -> memref<1x125xi32, #tpu.memory_space<hbm>>
    tpu.wait_dma2 semaphore(%arg15 : memref<!tpu.dma_semaphore, #tpu.memory_space<semaphore_mem>>) src(%dma_wait3A_39 : memref<1x125xi32, #tpu.memory_space<hbm>>) dst(%arg10 : memref<1x125xi32, #tpu.memory_space<vmem>>)
    %barrier3A_40 = arith.constant 0 : index
    tpu.barrier barrier_id(%barrier3A_40)
    %mul3A_41 = arith.constant 625 : i32
    %mul3A_42 = arith.muli %arg1, %mul3A_41 : i32
    "tpu.region"() ({
      %run_scoped3A = tpu.sem_alloc : memref<!tpu.dma_semaphore, #tpu.memory_space<semaphore_mem>>
      %dma_start3A_43 = arith.constant 0 : i32
      %dma_start3A_44 = arith.constant 0 : i32
      %dma_start3A_45 = tpu.memref_slice %arg6[%add3A, %dma_start3A_43, %dma_start3A_44] : memref<32x625x128xf32, #tpu.memory_space<hbm>> -> memref<1x625x128xf32, #tpu.memory_space<hbm>>
      %dma_start3A_46 = tpu.memref_squeeze %dma_start3A_45 : memref<1x625x128xf32, #tpu.memory_space<hbm>> -> memref<625x128xf32, #tpu.memory_space<hbm>>
      %dma_start3A_47 = arith.constant 0 : i32
      %dma_start3A_48 = tpu.memref_slice %arg12[%mul3A_42, %dma_start3A_47] : memref<10000x128xf32, #tpu.memory_space<vmem_shared>> -> memref<625x128xf32, #tpu.memory_space<vmem_shared>>
      tpu.enqueue_dma source(%dma_start3A_48 : memref<625x128xf32, #tpu.memory_space<vmem_shared>>) target(%dma_start3A_46 : memref<625x128xf32, #tpu.memory_space<hbm>>) target_semaphore(%run_scoped3A : memref<!tpu.dma_semaphore, #tpu.memory_space<semaphore_mem>>)
      %dma_wait3A_49 = arith.constant 0 : i32
      %dma_wait3A_50 = arith.constant 0 : i32
      %dma_wait3A_51 = tpu.memref_slice %arg6[%add3A, %dma_wait3A_49, %dma_wait3A_50] : memref<32x625x128xf32, #tpu.memory_space<hbm>> -> memref<1x625x128xf32, #tpu.memory_space<hbm>>
      %dma_wait3A_52 = tpu.memref_squeeze %dma_wait3A_51 : memref<1x625x128xf32, #tpu.memory_space<hbm>> -> memref<625x128xf32, #tpu.memory_space<hbm>>
      %dma_wait3A_53 = arith.constant 0 : i32
      %dma_wait3A_54 = tpu.memref_slice %arg12[%mul3A_42, %dma_wait3A_53] : memref<10000x128xf32, #tpu.memory_space<vmem_shared>> -> memref<625x128xf32, #tpu.memory_space<vmem_shared>>
      tpu.wait_dma2 semaphore(%run_scoped3A : memref<!tpu.dma_semaphore, #tpu.memory_space<semaphore_mem>>) src(%dma_wait3A_54 : memref<625x128xf32, #tpu.memory_space<vmem_shared>>) dst(%dma_wait3A_52 : memref<625x128xf32, #tpu.memory_space<hbm>>)
      tpu.yield
    }) : () -> ()
    return
  }
}

#map = affine_map<(d0, d1) -> (0, 0)>
#map1 = affine_map<(d0, d1) -> (0, 0, 0)>
module attributes {stable_mosaic.version = 14 : i64} {
  func.func @_spmm_body(%arg0: i32, %arg1: i32, %arg2: memref<2560x125xi32, #tpu.memory_space<hbm>>, %arg3: memref<2560x1x125xi32, #tpu.memory_space<hbm>>, %arg4: memref<10000x128xf32, #tpu.memory_space<hbm>>, %arg5: memref<625x128xf32, #tpu.memory_space<hbm>>, %arg6: memref<32x625x128xf32, #tpu.memory_space<hbm>>, %arg7: memref<80x125xi32, #tpu.memory_space<vmem>>, %arg8: memref<125x128xf32, #tpu.memory_space<vmem>>, %arg9: memref<125x128xf32, #tpu.memory_space<vmem>>, %arg10: memref<1x125xi32, #tpu.memory_space<vmem>>, %arg11: memref<1x125xi32, #tpu.memory_space<vmem>>, %arg12: memref<10000x128xf32, #tpu.memory_space<vmem_shared>>, %arg13: memref<!tpu.dma_semaphore, #tpu.memory_space<semaphore_mem>>, %arg14: memref<!tpu.dma_semaphore, #tpu.memory_space<semaphore_mem>>, %arg15: memref<!tpu.dma_semaphore, #tpu.memory_space<semaphore_mem>>, %arg16: memref<!tpu.dma_semaphore, #tpu.memory_space<semaphore_mem>>) attributes {dimension_semantics = [#tpu.dimension_semantics<core_parallel>, #tpu.dimension_semantics<subcore_parallel>], iteration_bounds = array<i64: 2, 16>, scalar_prefetch = 0 : i64, scratch_operands = 10 : i64, tpu.core_type = #tpu.core_type<sc_vector_subcore>, window_params = [{transform_indices = #map}, {transform_indices = #map1}, {transform_indices = #map}, {transform_indices = #map}, {transform_indices = #map1}]} {
    %mul3A = arith.constant 16 : i32
    %mul3A_0 = arith.muli %arg0, %mul3A : i32
    %add3A = arith.addi %mul3A_0, %arg1 : i32
    %mul3A_1 = arith.constant 80 : i32
    %mul3A_2 = arith.muli %add3A, %mul3A_1 : i32
    %mul3A_3 = arith.constant 80 : i32
    %mul3A_4 = arith.muli %add3A, %mul3A_3 : i32
    "tpu.region"() ({
      %run_scoped3A = tpu.sem_alloc : memref<!tpu.dma_semaphore, #tpu.memory_space<semaphore_mem>>
      %dma_start3A_43 = arith.constant 0 : i32
      %dma_start3A_44 = tpu.memref_slice %arg2[%mul3A_4, %dma_start3A_43] : memref<2560x125xi32, #tpu.memory_space<hbm>> -> memref<80x125xi32, #tpu.memory_space<hbm>>
      %dma_start3A_45 = arith.constant 0 : i32
      %dma_start3A_46 = tpu.memref_slice %arg2[%mul3A_4, %dma_start3A_45] : memref<2560x125xi32, #tpu.memory_space<hbm>> -> memref<80x125xi32, #tpu.memory_space<hbm>>
      tpu.enqueue_dma source(%dma_start3A_46 : memref<80x125xi32, #tpu.memory_space<hbm>>) target(%arg7 : memref<80x125xi32, #tpu.memory_space<vmem>>) target_semaphore(%run_scoped3A : memref<!tpu.dma_semaphore, #tpu.memory_space<semaphore_mem>>)
      %dma_wait3A_47 = arith.constant 0 : i32
      %dma_wait3A_48 = tpu.memref_slice %arg2[%mul3A_4, %dma_wait3A_47] : memref<2560x125xi32, #tpu.memory_space<hbm>> -> memref<80x125xi32, #tpu.memory_space<hbm>>
      %dma_wait3A_49 = arith.constant 0 : i32
      %dma_wait3A_50 = tpu.memref_slice %arg2[%mul3A_4, %dma_wait3A_49] : memref<2560x125xi32, #tpu.memory_space<hbm>> -> memref<80x125xi32, #tpu.memory_space<hbm>>
      tpu.wait_dma2 semaphore(%run_scoped3A : memref<!tpu.dma_semaphore, #tpu.memory_space<semaphore_mem>>) src(%dma_wait3A_50 : memref<80x125xi32, #tpu.memory_space<hbm>>) dst(%arg7 : memref<80x125xi32, #tpu.memory_space<vmem>>)
      tpu.yield
    }) : () -> ()
    %dma_start3A = arith.constant 0 : i32
    %dma_start3A_5 = arith.constant 0 : i32
    %dma_start3A_6 = tpu.memref_slice %arg7[%dma_start3A, %dma_start3A_5] : memref<80x125xi32, #tpu.memory_space<vmem>> -> memref<1x125xi32, #tpu.memory_space<vmem>>
    %dma_start3A_7 = tpu.memref_squeeze %dma_start3A_6 : memref<1x125xi32, #tpu.memory_space<vmem>> -> memref<125xi32, #tpu.memory_space<vmem>>
    %dma_start3A_8 = arith.constant 0 : i32
    %dma_start3A_9 = arith.constant 0 : i32
    %dma_start3A_10 = tpu.memref_slice %arg4[%dma_start3A_8, %dma_start3A_9] : memref<10000x128xf32, #tpu.memory_space<hbm>> -> memref<10000x128xf32, #tpu.memory_space<hbm>>
    tpu.enqueue_indirect_dma source(%dma_start3A_10 : memref<10000x128xf32, #tpu.memory_space<hbm>>) target(%arg8 : memref<125x128xf32, #tpu.memory_space<vmem>>) offsets(%dma_start3A_7 : memref<125xi32, #tpu.memory_space<vmem>>) semaphore(%arg13 : memref<!tpu.dma_semaphore, #tpu.memory_space<semaphore_mem>>)
    %dma_start3A_11 = arith.constant 0 : i32
    %dma_start3A_12 = arith.constant 0 : i32
    %dma_start3A_13 = tpu.memref_slice %arg3[%mul3A_2, %dma_start3A_11, %dma_start3A_12] : memref<2560x1x125xi32, #tpu.memory_space<hbm>> -> memref<1x1x125xi32, #tpu.memory_space<hbm>>
    %dma_start3A_14 = tpu.memref_squeeze %dma_start3A_13 : memref<1x1x125xi32, #tpu.memory_space<hbm>> -> memref<1x125xi32, #tpu.memory_space<hbm>>
    %dma_start3A_15 = arith.constant 0 : i32
    %dma_start3A_16 = arith.constant 0 : i32
    %dma_start3A_17 = tpu.memref_slice %arg3[%mul3A_2, %dma_start3A_15, %dma_start3A_16] : memref<2560x1x125xi32, #tpu.memory_space<hbm>> -> memref<1x1x125xi32, #tpu.memory_space<hbm>>
    %dma_start3A_18 = tpu.memref_squeeze %dma_start3A_17 : memref<1x1x125xi32, #tpu.memory_space<hbm>> -> memref<1x125xi32, #tpu.memory_space<hbm>>
    tpu.enqueue_dma source(%dma_start3A_18 : memref<1x125xi32, #tpu.memory_space<hbm>>) target(%arg10 : memref<1x125xi32, #tpu.memory_space<vmem>>) target_semaphore(%arg15 : memref<!tpu.dma_semaphore, #tpu.memory_space<semaphore_mem>>)
    %mul3A_19 = arith.constant 625 : i32
    %mul3A_20 = arith.muli %arg1, %mul3A_19 : i32
    "tpu.region"() ({
      %run_scoped3A = tpu.sem_alloc : memref<!tpu.dma_semaphore, #tpu.memory_space<semaphore_mem>>
      %dma_start3A_43 = arith.constant 0 : i32
      %dma_start3A_44 = tpu.memref_slice %arg12[%mul3A_20, %dma_start3A_43] : memref<10000x128xf32, #tpu.memory_space<vmem_shared>> -> memref<625x128xf32, #tpu.memory_space<vmem_shared>>
      tpu.enqueue_dma source(%arg5 : memref<625x128xf32, #tpu.memory_space<hbm>>) target(%dma_start3A_44 : memref<625x128xf32, #tpu.memory_space<vmem_shared>>) target_semaphore(%run_scoped3A : memref<!tpu.dma_semaphore, #tpu.memory_space<semaphore_mem>>)
      %dma_wait3A_45 = arith.constant 0 : i32
      %dma_wait3A_46 = tpu.memref_slice %arg12[%mul3A_20, %dma_wait3A_45] : memref<10000x128xf32, #tpu.memory_space<vmem_shared>> -> memref<625x128xf32, #tpu.memory_space<vmem_shared>>
      tpu.wait_dma2 semaphore(%run_scoped3A : memref<!tpu.dma_semaphore, #tpu.memory_space<semaphore_mem>>) src(%arg5 : memref<625x128xf32, #tpu.memory_space<hbm>>) dst(%dma_wait3A_46 : memref<625x128xf32, #tpu.memory_space<vmem_shared>>)
      tpu.yield
    }) : () -> ()
    %barrier3A = arith.constant 0 : index
    tpu.barrier barrier_id(%barrier3A)
    %scan3A = arith.constant 0 : i32
    %scan3A_21 = arith.constant 0 : i32
    %scan3A_22 = arith.constant 40 : i32
    %scan3A_23 = arith.addi %scan3A_21, %scan3A_22 : i32
    %scan3A_24 = arith.constant 1 : i32
    scf.for %scan3A_43 = %scan3A_21 to %scan3A_23 step %scan3A_24  : i32 {
      %mul3A_44 = arith.constant 2 : i32
      %mul3A_45 = arith.muli %mul3A_44, %scan3A_43 : i32
      %add3A_46 = arith.constant 1 : i32
      %add3A_47 = arith.addi %mul3A_45, %add3A_46 : i32
      %dma_start3A_48 = arith.constant 0 : i32
      %dma_start3A_49 = tpu.memref_slice %arg7[%add3A_47, %dma_start3A_48] : memref<80x125xi32, #tpu.memory_space<vmem>> -> memref<1x125xi32, #tpu.memory_space<vmem>>
      %dma_start3A_50 = tpu.memref_squeeze %dma_start3A_49 : memref<1x125xi32, #tpu.memory_space<vmem>> -> memref<125xi32, #tpu.memory_space<vmem>>
      %dma_start3A_51 = arith.constant 0 : i32
      %dma_start3A_52 = arith.constant 0 : i32
      %dma_start3A_53 = tpu.memref_slice %arg4[%dma_start3A_51, %dma_start3A_52] : memref<10000x128xf32, #tpu.memory_space<hbm>> -> memref<10000x128xf32, #tpu.memory_space<hbm>>
      tpu.enqueue_indirect_dma source(%dma_start3A_53 : memref<10000x128xf32, #tpu.memory_space<hbm>>) target(%arg9 : memref<125x128xf32, #tpu.memory_space<vmem>>) offsets(%dma_start3A_50 : memref<125xi32, #tpu.memory_space<vmem>>) semaphore(%arg14 : memref<!tpu.dma_semaphore, #tpu.memory_space<semaphore_mem>>)
      %add3A_54 = arith.addi %mul3A_2, %add3A_47 : i32
      %dma_start3A_55 = arith.constant 0 : i32
      %dma_start3A_56 = arith.constant 0 : i32
      %dma_start3A_57 = tpu.memref_slice %arg3[%add3A_54, %dma_start3A_55, %dma_start3A_56] : memref<2560x1x125xi32, #tpu.memory_space<hbm>> -> memref<1x1x125xi32, #tpu.memory_space<hbm>>
      %dma_start3A_58 = tpu.memref_squeeze %dma_start3A_57 : memref<1x1x125xi32, #tpu.memory_space<hbm>> -> memref<1x125xi32, #tpu.memory_space<hbm>>
      %dma_start3A_59 = arith.constant 0 : i32
      %dma_start3A_60 = arith.constant 0 : i32
      %dma_start3A_61 = tpu.memref_slice %arg3[%add3A_54, %dma_start3A_59, %dma_start3A_60] : memref<2560x1x125xi32, #tpu.memory_space<hbm>> -> memref<1x1x125xi32, #tpu.memory_space<hbm>>
      %dma_start3A_62 = tpu.memref_squeeze %dma_start3A_61 : memref<1x1x125xi32, #tpu.memory_space<hbm>> -> memref<1x125xi32, #tpu.memory_space<hbm>>
      tpu.enqueue_dma source(%dma_start3A_62 : memref<1x125xi32, #tpu.memory_space<hbm>>) target(%arg11 : memref<1x125xi32, #tpu.memory_space<vmem>>) target_semaphore(%arg16 : memref<!tpu.dma_semaphore, #tpu.memory_space<semaphore_mem>>)
      %dma_wait3A_63 = arith.constant 0 : i32
      %dma_wait3A_64 = tpu.memref_slice %arg7[%mul3A_45, %dma_wait3A_63] : memref<80x125xi32, #tpu.memory_space<vmem>> -> memref<1x125xi32, #tpu.memory_space<vmem>>
      %dma_wait3A_65 = tpu.memref_squeeze %dma_wait3A_64 : memref<1x125xi32, #tpu.memory_space<vmem>> -> memref<125xi32, #tpu.memory_space<vmem>>
      %dma_wait3A_66 = arith.constant 0 : i32
      %dma_wait3A_67 = arith.constant 0 : i32
      %dma_wait3A_68 = tpu.memref_slice %arg4[%dma_wait3A_66, %dma_wait3A_67] : memref<10000x128xf32, #tpu.memory_space<hbm>> -> memref<10000x128xf32, #tpu.memory_space<hbm>>
      tpu.wait_indirect_dma semaphore(%arg13 : memref<!tpu.dma_semaphore, #tpu.memory_space<semaphore_mem>>) src(%dma_wait3A_68 : memref<10000x128xf32, #tpu.memory_space<hbm>>) dst(%arg8 : memref<125x128xf32, #tpu.memory_space<vmem>>)
      %dma_wait3A_69 = arith.constant 0 : i32
      %dma_wait3A_70 = arith.constant 0 : i32
      %dma_wait3A_71 = tpu.memref_slice %arg3[%mul3A_2, %dma_wait3A_69, %dma_wait3A_70] : memref<2560x1x125xi32, #tpu.memory_space<hbm>> -> memref<1x1x125xi32, #tpu.memory_space<hbm>>
      %dma_wait3A_72 = tpu.memref_squeeze %dma_wait3A_71 : memref<1x1x125xi32, #tpu.memory_space<hbm>> -> memref<1x125xi32, #tpu.memory_space<hbm>>
      %dma_wait3A_73 = arith.constant 0 : i32
      %dma_wait3A_74 = arith.constant 0 : i32
      %dma_wait3A_75 = tpu.memref_slice %arg3[%mul3A_2, %dma_wait3A_73, %dma_wait3A_74] : memref<2560x1x125xi32, #tpu.memory_space<hbm>> -> memref<1x1x125xi32, #tpu.memory_space<hbm>>
      %dma_wait3A_76 = tpu.memref_squeeze %dma_wait3A_75 : memref<1x1x125xi32, #tpu.memory_space<hbm>> -> memref<1x125xi32, #tpu.memory_space<hbm>>
      tpu.wait_dma2 semaphore(%arg15 : memref<!tpu.dma_semaphore, #tpu.memory_space<semaphore_mem>>) src(%dma_wait3A_76 : memref<1x125xi32, #tpu.memory_space<hbm>>) dst(%arg10 : memref<1x125xi32, #tpu.memory_space<vmem>>)
      %run_scoped3A = arith.constant 0 : i32
      "tpu.region"() ({
        %run_scoped3A_111 = tpu.sem_alloc : memref<!tpu.dma_semaphore, #tpu.memory_space<semaphore_mem>>
        %dma_start3A_112 = arith.constant 0 : i32
        %dma_start3A_113 = tpu.memref_slice %arg10[%run_scoped3A, %dma_start3A_112] : memref<1x125xi32, #tpu.memory_space<vmem>> -> memref<1x125xi32, #tpu.memory_space<vmem>>
        %dma_start3A_114 = tpu.memref_squeeze %dma_start3A_113 : memref<1x125xi32, #tpu.memory_space<vmem>> -> memref<125xi32, #tpu.memory_space<vmem>>
        %dma_start3A_115 = arith.constant 0 : i32
        %dma_start3A_116 = arith.constant 0 : i32
        %dma_start3A_117 = tpu.memref_slice %arg12[%dma_start3A_115, %dma_start3A_116] : memref<10000x128xf32, #tpu.memory_space<vmem_shared>> -> memref<10000x128xf32, #tpu.memory_space<vmem_shared>>
        tpu.enqueue_indirect_dma source(%arg8 : memref<125x128xf32, #tpu.memory_space<vmem>>) target(%dma_start3A_117 : memref<10000x128xf32, #tpu.memory_space<vmem_shared>>) offsets(%dma_start3A_114 : memref<125xi32, #tpu.memory_space<vmem>>) semaphore(%run_scoped3A_111 : memref<!tpu.dma_semaphore, #tpu.memory_space<semaphore_mem>>) {add = true}
        %dma_wait3A_118 = arith.constant 0 : i32
        %dma_wait3A_119 = tpu.memref_slice %arg10[%run_scoped3A, %dma_wait3A_118] : memref<1x125xi32, #tpu.memory_space<vmem>> -> memref<1x125xi32, #tpu.memory_space<vmem>>
        %dma_wait3A_120 = tpu.memref_squeeze %dma_wait3A_119 : memref<1x125xi32, #tpu.memory_space<vmem>> -> memref<125xi32, #tpu.memory_space<vmem>>
        %dma_wait3A_121 = arith.constant 0 : i32
        %dma_wait3A_122 = arith.constant 0 : i32
        %dma_wait3A_123 = tpu.memref_slice %arg12[%dma_wait3A_121, %dma_wait3A_122] : memref<10000x128xf32, #tpu.memory_space<vmem_shared>> -> memref<10000x128xf32, #tpu.memory_space<vmem_shared>>
        tpu.wait_indirect_dma semaphore(%run_scoped3A_111 : memref<!tpu.dma_semaphore, #tpu.memory_space<semaphore_mem>>) src(%arg8 : memref<125x128xf32, #tpu.memory_space<vmem>>) dst(%dma_wait3A_123 : memref<10000x128xf32, #tpu.memory_space<vmem_shared>>)
        tpu.yield
      }) : () -> ()
      %add3A_77 = arith.constant 2 : i32
      %add3A_78 = arith.addi %mul3A_45, %add3A_77 : i32
      %min3A = arith.constant 78 : i32
      %min3A_79 = arith.minsi %add3A_78, %min3A : i32
      %dma_start3A_80 = arith.constant 0 : i32
      %dma_start3A_81 = tpu.memref_slice %arg7[%min3A_79, %dma_start3A_80] : memref<80x125xi32, #tpu.memory_space<vmem>> -> memref<1x125xi32, #tpu.memory_space<vmem>>
      %dma_start3A_82 = tpu.memref_squeeze %dma_start3A_81 : memref<1x125xi32, #tpu.memory_space<vmem>> -> memref<125xi32, #tpu.memory_space<vmem>>
      %dma_start3A_83 = arith.constant 0 : i32
      %dma_start3A_84 = arith.constant 0 : i32
      %dma_start3A_85 = tpu.memref_slice %arg4[%dma_start3A_83, %dma_start3A_84] : memref<10000x128xf32, #tpu.memory_space<hbm>> -> memref<10000x128xf32, #tpu.memory_space<hbm>>
      tpu.enqueue_indirect_dma source(%dma_start3A_85 : memref<10000x128xf32, #tpu.memory_space<hbm>>) target(%arg8 : memref<125x128xf32, #tpu.memory_space<vmem>>) offsets(%dma_start3A_82 : memref<125xi32, #tpu.memory_space<vmem>>) semaphore(%arg13 : memref<!tpu.dma_semaphore, #tpu.memory_space<semaphore_mem>>)
      %add3A_86 = arith.addi %mul3A_2, %min3A_79 : i32
      %dma_start3A_87 = arith.constant 0 : i32
      %dma_start3A_88 = arith.constant 0 : i32
      %dma_start3A_89 = tpu.memref_slice %arg3[%add3A_86, %dma_start3A_87, %dma_start3A_88] : memref<2560x1x125xi32, #tpu.memory_space<hbm>> -> memref<1x1x125xi32, #tpu.memory_space<hbm>>
      %dma_start3A_90 = tpu.memref_squeeze %dma_start3A_89 : memref<1x1x125xi32, #tpu.memory_space<hbm>> -> memref<1x125xi32, #tpu.memory_space<hbm>>
      %dma_start3A_91 = arith.constant 0 : i32
      %dma_start3A_92 = arith.constant 0 : i32
      %dma_start3A_93 = tpu.memref_slice %arg3[%add3A_86, %dma_start3A_91, %dma_start3A_92] : memref<2560x1x125xi32, #tpu.memory_space<hbm>> -> memref<1x1x125xi32, #tpu.memory_space<hbm>>
      %dma_start3A_94 = tpu.memref_squeeze %dma_start3A_93 : memref<1x1x125xi32, #tpu.memory_space<hbm>> -> memref<1x125xi32, #tpu.memory_space<hbm>>
      tpu.enqueue_dma source(%dma_start3A_94 : memref<1x125xi32, #tpu.memory_space<hbm>>) target(%arg10 : memref<1x125xi32, #tpu.memory_space<vmem>>) target_semaphore(%arg15 : memref<!tpu.dma_semaphore, #tpu.memory_space<semaphore_mem>>)
      %dma_wait3A_95 = arith.constant 0 : i32
      %dma_wait3A_96 = tpu.memref_slice %arg7[%add3A_47, %dma_wait3A_95] : memref<80x125xi32, #tpu.memory_space<vmem>> -> memref<1x125xi32, #tpu.memory_space<vmem>>
      %dma_wait3A_97 = tpu.memref_squeeze %dma_wait3A_96 : memref<1x125xi32, #tpu.memory_space<vmem>> -> memref<125xi32, #tpu.memory_space<vmem>>
      %dma_wait3A_98 = arith.constant 0 : i32
      %dma_wait3A_99 = arith.constant 0 : i32
      %dma_wait3A_100 = tpu.memref_slice %arg4[%dma_wait3A_98, %dma_wait3A_99] : memref<10000x128xf32, #tpu.memory_space<hbm>> -> memref<10000x128xf32, #tpu.memory_space<hbm>>
      tpu.wait_indirect_dma semaphore(%arg14 : memref<!tpu.dma_semaphore, #tpu.memory_space<semaphore_mem>>) src(%dma_wait3A_100 : memref<10000x128xf32, #tpu.memory_space<hbm>>) dst(%arg9 : memref<125x128xf32, #tpu.memory_space<vmem>>)
      %add3A_101 = arith.addi %mul3A_2, %add3A_47 : i32
      %dma_wait3A_102 = arith.constant 0 : i32
      %dma_wait3A_103 = arith.constant 0 : i32
      %dma_wait3A_104 = tpu.memref_slice %arg3[%add3A_101, %dma_wait3A_102, %dma_wait3A_103] : memref<2560x1x125xi32, #tpu.memory_space<hbm>> -> memref<1x1x125xi32, #tpu.memory_space<hbm>>
      %dma_wait3A_105 = tpu.memref_squeeze %dma_wait3A_104 : memref<1x1x125xi32, #tpu.memory_space<hbm>> -> memref<1x125xi32, #tpu.memory_space<hbm>>
      %dma_wait3A_106 = arith.constant 0 : i32
      %dma_wait3A_107 = arith.constant 0 : i32
      %dma_wait3A_108 = tpu.memref_slice %arg3[%add3A_101, %dma_wait3A_106, %dma_wait3A_107] : memref<2560x1x125xi32, #tpu.memory_space<hbm>> -> memref<1x1x125xi32, #tpu.memory_space<hbm>>
      %dma_wait3A_109 = tpu.memref_squeeze %dma_wait3A_108 : memref<1x1x125xi32, #tpu.memory_space<hbm>> -> memref<1x125xi32, #tpu.memory_space<hbm>>
      tpu.wait_dma2 semaphore(%arg16 : memref<!tpu.dma_semaphore, #tpu.memory_space<semaphore_mem>>) src(%dma_wait3A_109 : memref<1x125xi32, #tpu.memory_space<hbm>>) dst(%arg11 : memref<1x125xi32, #tpu.memory_space<vmem>>)
      %run_scoped3A_110 = arith.constant 0 : i32
      "tpu.region"() ({
        %run_scoped3A_111 = tpu.sem_alloc : memref<!tpu.dma_semaphore, #tpu.memory_space<semaphore_mem>>
        %dma_start3A_112 = arith.constant 0 : i32
        %dma_start3A_113 = tpu.memref_slice %arg11[%run_scoped3A_110, %dma_start3A_112] : memref<1x125xi32, #tpu.memory_space<vmem>> -> memref<1x125xi32, #tpu.memory_space<vmem>>
        %dma_start3A_114 = tpu.memref_squeeze %dma_start3A_113 : memref<1x125xi32, #tpu.memory_space<vmem>> -> memref<125xi32, #tpu.memory_space<vmem>>
        %dma_start3A_115 = arith.constant 0 : i32
        %dma_start3A_116 = arith.constant 0 : i32
        %dma_start3A_117 = tpu.memref_slice %arg12[%dma_start3A_115, %dma_start3A_116] : memref<10000x128xf32, #tpu.memory_space<vmem_shared>> -> memref<10000x128xf32, #tpu.memory_space<vmem_shared>>
        tpu.enqueue_indirect_dma source(%arg9 : memref<125x128xf32, #tpu.memory_space<vmem>>) target(%dma_start3A_117 : memref<10000x128xf32, #tpu.memory_space<vmem_shared>>) offsets(%dma_start3A_114 : memref<125xi32, #tpu.memory_space<vmem>>) semaphore(%run_scoped3A_111 : memref<!tpu.dma_semaphore, #tpu.memory_space<semaphore_mem>>) {add = true}
        %dma_wait3A_118 = arith.constant 0 : i32
        %dma_wait3A_119 = tpu.memref_slice %arg11[%run_scoped3A_110, %dma_wait3A_118] : memref<1x125xi32, #tpu.memory_space<vmem>> -> memref<1x125xi32, #tpu.memory_space<vmem>>
        %dma_wait3A_120 = tpu.memref_squeeze %dma_wait3A_119 : memref<1x125xi32, #tpu.memory_space<vmem>> -> memref<125xi32, #tpu.memory_space<vmem>>
        %dma_wait3A_121 = arith.constant 0 : i32
        %dma_wait3A_122 = arith.constant 0 : i32
        %dma_wait3A_123 = tpu.memref_slice %arg12[%dma_wait3A_121, %dma_wait3A_122] : memref<10000x128xf32, #tpu.memory_space<vmem_shared>> -> memref<10000x128xf32, #tpu.memory_space<vmem_shared>>
        tpu.wait_indirect_dma semaphore(%run_scoped3A_111 : memref<!tpu.dma_semaphore, #tpu.memory_space<semaphore_mem>>) src(%arg9 : memref<125x128xf32, #tpu.memory_space<vmem>>) dst(%dma_wait3A_123 : memref<10000x128xf32, #tpu.memory_space<vmem_shared>>)
        tpu.yield
      }) : () -> ()
    }
    %scan3A_25 = arith.constant 40 : i32
    %dma_wait3A = arith.constant 0 : i32
    %dma_wait3A_26 = arith.constant 0 : i32
    %dma_wait3A_27 = tpu.memref_slice %arg7[%dma_wait3A, %dma_wait3A_26] : memref<80x125xi32, #tpu.memory_space<vmem>> -> memref<1x125xi32, #tpu.memory_space<vmem>>
    %dma_wait3A_28 = tpu.memref_squeeze %dma_wait3A_27 : memref<1x125xi32, #tpu.memory_space<vmem>> -> memref<125xi32, #tpu.memory_space<vmem>>
    %dma_wait3A_29 = arith.constant 0 : i32
    %dma_wait3A_30 = arith.constant 0 : i32
    %dma_wait3A_31 = tpu.memref_slice %arg4[%dma_wait3A_29, %dma_wait3A_30] : memref<10000x128xf32, #tpu.memory_space<hbm>> -> memref<10000x128xf32, #tpu.memory_space<hbm>>
    tpu.wait_indirect_dma semaphore(%arg13 : memref<!tpu.dma_semaphore, #tpu.memory_space<semaphore_mem>>) src(%dma_wait3A_31 : memref<10000x128xf32, #tpu.memory_space<hbm>>) dst(%arg8 : memref<125x128xf32, #tpu.memory_space<vmem>>)
    %dma_wait3A_32 = arith.constant 0 : i32
    %dma_wait3A_33 = arith.constant 0 : i32
    %dma_wait3A_34 = tpu.memref_slice %arg3[%mul3A_2, %dma_wait3A_32, %dma_wait3A_33] : memref<2560x1x125xi32, #tpu.memory_space<hbm>> -> memref<1x1x125xi32, #tpu.memory_space<hbm>>
    %dma_wait3A_35 = tpu.memref_squeeze %dma_wait3A_34 : memref<1x1x125xi32, #tpu.memory_space<hbm>> -> memref<1x125xi32, #tpu.memory_space<hbm>>
    %dma_wait3A_36 = arith.constant 0 : i32
    %dma_wait3A_37 = arith.constant 0 : i32
    %dma_wait3A_38 = tpu.memref_slice %arg3[%mul3A_2, %dma_wait3A_36, %dma_wait3A_37] : memref<2560x1x125xi32, #tpu.memory_space<hbm>> -> memref<1x1x125xi32, #tpu.memory_space<hbm>>
    %dma_wait3A_39 = tpu.memref_squeeze %dma_wait3A_38 : memref<1x1x125xi32, #tpu.memory_space<hbm>> -> memref<1x125xi32, #tpu.memory_space<hbm>>
    tpu.wait_dma2 semaphore(%arg15 : memref<!tpu.dma_semaphore, #tpu.memory_space<semaphore_mem>>) src(%dma_wait3A_39 : memref<1x125xi32, #tpu.memory_space<hbm>>) dst(%arg10 : memref<1x125xi32, #tpu.memory_space<vmem>>)
    %barrier3A_40 = arith.constant 0 : index
    tpu.barrier barrier_id(%barrier3A_40)
    %mul3A_41 = arith.constant 625 : i32
    %mul3A_42 = arith.muli %arg1, %mul3A_41 : i32
    "tpu.region"() ({
      %run_scoped3A = tpu.sem_alloc : memref<!tpu.dma_semaphore, #tpu.memory_space<semaphore_mem>>
      %dma_start3A_43 = arith.constant 0 : i32
      %dma_start3A_44 = arith.constant 0 : i32
      %dma_start3A_45 = tpu.memref_slice %arg6[%add3A, %dma_start3A_43, %dma_start3A_44] : memref<32x625x128xf32, #tpu.memory_space<hbm>> -> memref<1x625x128xf32, #tpu.memory_space<hbm>>
      %dma_start3A_46 = tpu.memref_squeeze %dma_start3A_45 : memref<1x625x128xf32, #tpu.memory_space<hbm>> -> memref<625x128xf32, #tpu.memory_space<hbm>>
      %dma_start3A_47 = arith.constant 0 : i32
      %dma_start3A_48 = tpu.memref_slice %arg12[%mul3A_42, %dma_start3A_47] : memref<10000x128xf32, #tpu.memory_space<vmem_shared>> -> memref<625x128xf32, #tpu.memory_space<vmem_shared>>
      tpu.enqueue_dma source(%dma_start3A_48 : memref<625x128xf32, #tpu.memory_space<vmem_shared>>) target(%dma_start3A_46 : memref<625x128xf32, #tpu.memory_space<hbm>>) target_semaphore(%run_scoped3A : memref<!tpu.dma_semaphore, #tpu.memory_space<semaphore_mem>>)
      %dma_wait3A_49 = arith.constant 0 : i32
      %dma_wait3A_50 = arith.constant 0 : i32
      %dma_wait3A_51 = tpu.memref_slice %arg6[%add3A, %dma_wait3A_49, %dma_wait3A_50] : memref<32x625x128xf32, #tpu.memory_space<hbm>> -> memref<1x625x128xf32, #tpu.memory_space<hbm>>
      %dma_wait3A_52 = tpu.memref_squeeze %dma_wait3A_51 : memref<1x625x128xf32, #tpu.memory_space<hbm>> -> memref<625x128xf32, #tpu.memory_space<hbm>>
      %dma_wait3A_53 = arith.constant 0 : i32
      %dma_wait3A_54 = tpu.memref_slice %arg12[%mul3A_42, %dma_wait3A_53] : memref<10000x128xf32, #tpu.memory_space<vmem_shared>> -> memref<625x128xf32, #tpu.memory_space<vmem_shared>>
      tpu.wait_dma2 semaphore(%run_scoped3A : memref<!tpu.dma_semaphore, #tpu.memory_space<semaphore_mem>>) src(%dma_wait3A_54 : memref<625x128xf32, #tpu.memory_space<vmem_shared>>) dst(%dma_wait3A_52 : memref<625x128xf32, #tpu.memory_space<hbm>>)
      tpu.yield
    }) : () -> ()
    return
  }
}

#map = affine_map<(d0, d1) -> (0, 0)>
#map1 = affine_map<(d0, d1) -> (0, 0, 0)>
module attributes {stable_mosaic.version = 14 : i64} {
  func.func @_spmm_body(%arg0: i32, %arg1: i32, %arg2: memref<2560x125xi32, #tpu.memory_space<hbm>>, %arg3: memref<2560x1x125xi32, #tpu.memory_space<hbm>>, %arg4: memref<10000x128xf32, #tpu.memory_space<hbm>>, %arg5: memref<625x128xf32, #tpu.memory_space<hbm>>, %arg6: memref<32x625x128xf32, #tpu.memory_space<hbm>>, %arg7: memref<80x125xi32, #tpu.memory_space<vmem>>, %arg8: memref<125x128xf32, #tpu.memory_space<vmem>>, %arg9: memref<125x128xf32, #tpu.memory_space<vmem>>, %arg10: memref<1x125xi32, #tpu.memory_space<vmem>>, %arg11: memref<1x125xi32, #tpu.memory_space<vmem>>, %arg12: memref<10000x128xf32, #tpu.memory_space<vmem_shared>>, %arg13: memref<!tpu.dma_semaphore, #tpu.memory_space<semaphore_mem>>, %arg14: memref<!tpu.dma_semaphore, #tpu.memory_space<semaphore_mem>>, %arg15: memref<!tpu.dma_semaphore, #tpu.memory_space<semaphore_mem>>, %arg16: memref<!tpu.dma_semaphore, #tpu.memory_space<semaphore_mem>>) attributes {dimension_semantics = [#tpu.dimension_semantics<core_parallel>, #tpu.dimension_semantics<subcore_parallel>], iteration_bounds = array<i64: 2, 16>, scalar_prefetch = 0 : i64, scratch_operands = 10 : i64, tpu.core_type = #tpu.core_type<sc_vector_subcore>, window_params = [{transform_indices = #map}, {transform_indices = #map1}, {transform_indices = #map}, {transform_indices = #map}, {transform_indices = #map1}]} {
    %mul3A = arith.constant 16 : i32
    %mul3A_0 = arith.muli %arg0, %mul3A : i32
    %add3A = arith.addi %mul3A_0, %arg1 : i32
    %mul3A_1 = arith.constant 80 : i32
    %mul3A_2 = arith.muli %add3A, %mul3A_1 : i32
    %mul3A_3 = arith.constant 80 : i32
    %mul3A_4 = arith.muli %add3A, %mul3A_3 : i32
    "tpu.region"() ({
      %run_scoped3A = tpu.sem_alloc : memref<!tpu.dma_semaphore, #tpu.memory_space<semaphore_mem>>
      %dma_start3A_43 = arith.constant 0 : i32
      %dma_start3A_44 = tpu.memref_slice %arg2[%mul3A_4, %dma_start3A_43] : memref<2560x125xi32, #tpu.memory_space<hbm>> -> memref<80x125xi32, #tpu.memory_space<hbm>>
      %dma_start3A_45 = arith.constant 0 : i32
      %dma_start3A_46 = tpu.memref_slice %arg2[%mul3A_4, %dma_start3A_45] : memref<2560x125xi32, #tpu.memory_space<hbm>> -> memref<80x125xi32, #tpu.memory_space<hbm>>
      tpu.enqueue_dma source(%dma_start3A_46 : memref<80x125xi32, #tpu.memory_space<hbm>>) target(%arg7 : memref<80x125xi32, #tpu.memory_space<vmem>>) target_semaphore(%run_scoped3A : memref<!tpu.dma_semaphore, #tpu.memory_space<semaphore_mem>>)
      %dma_wait3A_47 = arith.constant 0 : i32
      %dma_wait3A_48 = tpu.memref_slice %arg2[%mul3A_4, %dma_wait3A_47] : memref<2560x125xi32, #tpu.memory_space<hbm>> -> memref<80x125xi32, #tpu.memory_space<hbm>>
      %dma_wait3A_49 = arith.constant 0 : i32
      %dma_wait3A_50 = tpu.memref_slice %arg2[%mul3A_4, %dma_wait3A_49] : memref<2560x125xi32, #tpu.memory_space<hbm>> -> memref<80x125xi32, #tpu.memory_space<hbm>>
      tpu.wait_dma2 semaphore(%run_scoped3A : memref<!tpu.dma_semaphore, #tpu.memory_space<semaphore_mem>>) src(%dma_wait3A_50 : memref<80x125xi32, #tpu.memory_space<hbm>>) dst(%arg7 : memref<80x125xi32, #tpu.memory_space<vmem>>)
      tpu.yield
    }) : () -> ()
    %dma_start3A = arith.constant 0 : i32
    %dma_start3A_5 = arith.constant 0 : i32
    %dma_start3A_6 = tpu.memref_slice %arg7[%dma_start3A, %dma_start3A_5] : memref<80x125xi32, #tpu.memory_space<vmem>> -> memref<1x125xi32, #tpu.memory_space<vmem>>
    %dma_start3A_7 = tpu.memref_squeeze %dma_start3A_6 : memref<1x125xi32, #tpu.memory_space<vmem>> -> memref<125xi32, #tpu.memory_space<vmem>>
    %dma_start3A_8 = arith.constant 0 : i32
    %dma_start3A_9 = arith.constant 0 : i32
    %dma_start3A_10 = tpu.memref_slice %arg4[%dma_start3A_8, %dma_start3A_9] : memref<10000x128xf32, #tpu.memory_space<hbm>> -> memref<10000x128xf32, #tpu.memory_space<hbm>>
    tpu.enqueue_indirect_dma source(%dma_start3A_10 : memref<10000x128xf32, #tpu.memory_space<hbm>>) target(%arg8 : memref<125x128xf32, #tpu.memory_space<vmem>>) offsets(%dma_start3A_7 : memref<125xi32, #tpu.memory_space<vmem>>) semaphore(%arg13 : memref<!tpu.dma_semaphore, #tpu.memory_space<semaphore_mem>>)
    %dma_start3A_11 = arith.constant 0 : i32
    %dma_start3A_12 = arith.constant 0 : i32
    %dma_start3A_13 = tpu.memref_slice %arg3[%mul3A_2, %dma_start3A_11, %dma_start3A_12] : memref<2560x1x125xi32, #tpu.memory_space<hbm>> -> memref<1x1x125xi32, #tpu.memory_space<hbm>>
    %dma_start3A_14 = tpu.memref_squeeze %dma_start3A_13 : memref<1x1x125xi32, #tpu.memory_space<hbm>> -> memref<1x125xi32, #tpu.memory_space<hbm>>
    %dma_start3A_15 = arith.constant 0 : i32
    %dma_start3A_16 = arith.constant 0 : i32
    %dma_start3A_17 = tpu.memref_slice %arg3[%mul3A_2, %dma_start3A_15, %dma_start3A_16] : memref<2560x1x125xi32, #tpu.memory_space<hbm>> -> memref<1x1x125xi32, #tpu.memory_space<hbm>>
    %dma_start3A_18 = tpu.memref_squeeze %dma_start3A_17 : memref<1x1x125xi32, #tpu.memory_space<hbm>> -> memref<1x125xi32, #tpu.memory_space<hbm>>
    tpu.enqueue_dma source(%dma_start3A_18 : memref<1x125xi32, #tpu.memory_space<hbm>>) target(%arg10 : memref<1x125xi32, #tpu.memory_space<vmem>>) target_semaphore(%arg15 : memref<!tpu.dma_semaphore, #tpu.memory_space<semaphore_mem>>)
    %mul3A_19 = arith.constant 625 : i32
    %mul3A_20 = arith.muli %arg1, %mul3A_19 : i32
    "tpu.region"() ({
      %run_scoped3A = tpu.sem_alloc : memref<!tpu.dma_semaphore, #tpu.memory_space<semaphore_mem>>
      %dma_start3A_43 = arith.constant 0 : i32
      %dma_start3A_44 = tpu.memref_slice %arg12[%mul3A_20, %dma_start3A_43] : memref<10000x128xf32, #tpu.memory_space<vmem_shared>> -> memref<625x128xf32, #tpu.memory_space<vmem_shared>>
      tpu.enqueue_dma source(%arg5 : memref<625x128xf32, #tpu.memory_space<hbm>>) target(%dma_start3A_44 : memref<625x128xf32, #tpu.memory_space<vmem_shared>>) target_semaphore(%run_scoped3A : memref<!tpu.dma_semaphore, #tpu.memory_space<semaphore_mem>>)
      %dma_wait3A_45 = arith.constant 0 : i32
      %dma_wait3A_46 = tpu.memref_slice %arg12[%mul3A_20, %dma_wait3A_45] : memref<10000x128xf32, #tpu.memory_space<vmem_shared>> -> memref<625x128xf32, #tpu.memory_space<vmem_shared>>
      tpu.wait_dma2 semaphore(%run_scoped3A : memref<!tpu.dma_semaphore, #tpu.memory_space<semaphore_mem>>) src(%arg5 : memref<625x128xf32, #tpu.memory_space<hbm>>) dst(%dma_wait3A_46 : memref<625x128xf32, #tpu.memory_space<vmem_shared>>)
      tpu.yield
    }) : () -> ()
    %barrier3A = arith.constant 0 : index
    tpu.barrier barrier_id(%barrier3A)
    %scan3A = arith.constant 0 : i32
    %scan3A_21 = arith.constant 0 : i32
    %scan3A_22 = arith.constant 40 : i32
    %scan3A_23 = arith.addi %scan3A_21, %scan3A_22 : i32
    %scan3A_24 = arith.constant 1 : i32
    scf.for %scan3A_43 = %scan3A_21 to %scan3A_23 step %scan3A_24  : i32 {
      %mul3A_44 = arith.constant 2 : i32
      %mul3A_45 = arith.muli %mul3A_44, %scan3A_43 : i32
      %add3A_46 = arith.constant 1 : i32
      %add3A_47 = arith.addi %mul3A_45, %add3A_46 : i32
      %dma_start3A_48 = arith.constant 0 : i32
      %dma_start3A_49 = tpu.memref_slice %arg7[%add3A_47, %dma_start3A_48] : memref<80x125xi32, #tpu.memory_space<vmem>> -> memref<1x125xi32, #tpu.memory_space<vmem>>
      %dma_start3A_50 = tpu.memref_squeeze %dma_start3A_49 : memref<1x125xi32, #tpu.memory_space<vmem>> -> memref<125xi32, #tpu.memory_space<vmem>>
      %dma_start3A_51 = arith.constant 0 : i32
      %dma_start3A_52 = arith.constant 0 : i32
      %dma_start3A_53 = tpu.memref_slice %arg4[%dma_start3A_51, %dma_start3A_52] : memref<10000x128xf32, #tpu.memory_space<hbm>> -> memref<10000x128xf32, #tpu.memory_space<hbm>>
      tpu.enqueue_indirect_dma source(%dma_start3A_53 : memref<10000x128xf32, #tpu.memory_space<hbm>>) target(%arg9 : memref<125x128xf32, #tpu.memory_space<vmem>>) offsets(%dma_start3A_50 : memref<125xi32, #tpu.memory_space<vmem>>) semaphore(%arg14 : memref<!tpu.dma_semaphore, #tpu.memory_space<semaphore_mem>>)
      %add3A_54 = arith.addi %mul3A_2, %add3A_47 : i32
      %dma_start3A_55 = arith.constant 0 : i32
      %dma_start3A_56 = arith.constant 0 : i32
      %dma_start3A_57 = tpu.memref_slice %arg3[%add3A_54, %dma_start3A_55, %dma_start3A_56] : memref<2560x1x125xi32, #tpu.memory_space<hbm>> -> memref<1x1x125xi32, #tpu.memory_space<hbm>>
      %dma_start3A_58 = tpu.memref_squeeze %dma_start3A_57 : memref<1x1x125xi32, #tpu.memory_space<hbm>> -> memref<1x125xi32, #tpu.memory_space<hbm>>
      %dma_start3A_59 = arith.constant 0 : i32
      %dma_start3A_60 = arith.constant 0 : i32
      %dma_start3A_61 = tpu.memref_slice %arg3[%add3A_54, %dma_start3A_59, %dma_start3A_60] : memref<2560x1x125xi32, #tpu.memory_space<hbm>> -> memref<1x1x125xi32, #tpu.memory_space<hbm>>
      %dma_start3A_62 = tpu.memref_squeeze %dma_start3A_61 : memref<1x1x125xi32, #tpu.memory_space<hbm>> -> memref<1x125xi32, #tpu.memory_space<hbm>>
      tpu.enqueue_dma source(%dma_start3A_62 : memref<1x125xi32, #tpu.memory_space<hbm>>) target(%arg11 : memref<1x125xi32, #tpu.memory_space<vmem>>) target_semaphore(%arg16 : memref<!tpu.dma_semaphore, #tpu.memory_space<semaphore_mem>>)
      %dma_wait3A_63 = arith.constant 0 : i32
      %dma_wait3A_64 = tpu.memref_slice %arg7[%mul3A_45, %dma_wait3A_63] : memref<80x125xi32, #tpu.memory_space<vmem>> -> memref<1x125xi32, #tpu.memory_space<vmem>>
      %dma_wait3A_65 = tpu.memref_squeeze %dma_wait3A_64 : memref<1x125xi32, #tpu.memory_space<vmem>> -> memref<125xi32, #tpu.memory_space<vmem>>
      %dma_wait3A_66 = arith.constant 0 : i32
      %dma_wait3A_67 = arith.constant 0 : i32
      %dma_wait3A_68 = tpu.memref_slice %arg4[%dma_wait3A_66, %dma_wait3A_67] : memref<10000x128xf32, #tpu.memory_space<hbm>> -> memref<10000x128xf32, #tpu.memory_space<hbm>>
      tpu.wait_indirect_dma semaphore(%arg13 : memref<!tpu.dma_semaphore, #tpu.memory_space<semaphore_mem>>) src(%dma_wait3A_68 : memref<10000x128xf32, #tpu.memory_space<hbm>>) dst(%arg8 : memref<125x128xf32, #tpu.memory_space<vmem>>)
      %dma_wait3A_69 = arith.constant 0 : i32
      %dma_wait3A_70 = arith.constant 0 : i32
      %dma_wait3A_71 = tpu.memref_slice %arg3[%mul3A_2, %dma_wait3A_69, %dma_wait3A_70] : memref<2560x1x125xi32, #tpu.memory_space<hbm>> -> memref<1x1x125xi32, #tpu.memory_space<hbm>>
      %dma_wait3A_72 = tpu.memref_squeeze %dma_wait3A_71 : memref<1x1x125xi32, #tpu.memory_space<hbm>> -> memref<1x125xi32, #tpu.memory_space<hbm>>
      %dma_wait3A_73 = arith.constant 0 : i32
      %dma_wait3A_74 = arith.constant 0 : i32
      %dma_wait3A_75 = tpu.memref_slice %arg3[%mul3A_2, %dma_wait3A_73, %dma_wait3A_74] : memref<2560x1x125xi32, #tpu.memory_space<hbm>> -> memref<1x1x125xi32, #tpu.memory_space<hbm>>
      %dma_wait3A_76 = tpu.memref_squeeze %dma_wait3A_75 : memref<1x1x125xi32, #tpu.memory_space<hbm>> -> memref<1x125xi32, #tpu.memory_space<hbm>>
      tpu.wait_dma2 semaphore(%arg15 : memref<!tpu.dma_semaphore, #tpu.memory_space<semaphore_mem>>) src(%dma_wait3A_76 : memref<1x125xi32, #tpu.memory_space<hbm>>) dst(%arg10 : memref<1x125xi32, #tpu.memory_space<vmem>>)
      %run_scoped3A = arith.constant 0 : i32
      "tpu.region"() ({
        %run_scoped3A_111 = tpu.sem_alloc : memref<!tpu.dma_semaphore, #tpu.memory_space<semaphore_mem>>
        %dma_start3A_112 = arith.constant 0 : i32
        %dma_start3A_113 = tpu.memref_slice %arg10[%run_scoped3A, %dma_start3A_112] : memref<1x125xi32, #tpu.memory_space<vmem>> -> memref<1x125xi32, #tpu.memory_space<vmem>>
        %dma_start3A_114 = tpu.memref_squeeze %dma_start3A_113 : memref<1x125xi32, #tpu.memory_space<vmem>> -> memref<125xi32, #tpu.memory_space<vmem>>
        %dma_start3A_115 = arith.constant 0 : i32
        %dma_start3A_116 = arith.constant 0 : i32
        %dma_start3A_117 = tpu.memref_slice %arg12[%dma_start3A_115, %dma_start3A_116] : memref<10000x128xf32, #tpu.memory_space<vmem_shared>> -> memref<10000x128xf32, #tpu.memory_space<vmem_shared>>
        tpu.enqueue_indirect_dma source(%arg8 : memref<125x128xf32, #tpu.memory_space<vmem>>) target(%dma_start3A_117 : memref<10000x128xf32, #tpu.memory_space<vmem_shared>>) offsets(%dma_start3A_114 : memref<125xi32, #tpu.memory_space<vmem>>) semaphore(%run_scoped3A_111 : memref<!tpu.dma_semaphore, #tpu.memory_space<semaphore_mem>>) {add = true}
        %dma_wait3A_118 = arith.constant 0 : i32
        %dma_wait3A_119 = tpu.memref_slice %arg10[%run_scoped3A, %dma_wait3A_118] : memref<1x125xi32, #tpu.memory_space<vmem>> -> memref<1x125xi32, #tpu.memory_space<vmem>>
        %dma_wait3A_120 = tpu.memref_squeeze %dma_wait3A_119 : memref<1x125xi32, #tpu.memory_space<vmem>> -> memref<125xi32, #tpu.memory_space<vmem>>
        %dma_wait3A_121 = arith.constant 0 : i32
        %dma_wait3A_122 = arith.constant 0 : i32
        %dma_wait3A_123 = tpu.memref_slice %arg12[%dma_wait3A_121, %dma_wait3A_122] : memref<10000x128xf32, #tpu.memory_space<vmem_shared>> -> memref<10000x128xf32, #tpu.memory_space<vmem_shared>>
        tpu.wait_indirect_dma semaphore(%run_scoped3A_111 : memref<!tpu.dma_semaphore, #tpu.memory_space<semaphore_mem>>) src(%arg8 : memref<125x128xf32, #tpu.memory_space<vmem>>) dst(%dma_wait3A_123 : memref<10000x128xf32, #tpu.memory_space<vmem_shared>>)
        tpu.yield
      }) : () -> ()
      %add3A_77 = arith.constant 2 : i32
      %add3A_78 = arith.addi %mul3A_45, %add3A_77 : i32
      %min3A = arith.constant 78 : i32
      %min3A_79 = arith.minsi %add3A_78, %min3A : i32
      %dma_start3A_80 = arith.constant 0 : i32
      %dma_start3A_81 = tpu.memref_slice %arg7[%min3A_79, %dma_start3A_80] : memref<80x125xi32, #tpu.memory_space<vmem>> -> memref<1x125xi32, #tpu.memory_space<vmem>>
      %dma_start3A_82 = tpu.memref_squeeze %dma_start3A_81 : memref<1x125xi32, #tpu.memory_space<vmem>> -> memref<125xi32, #tpu.memory_space<vmem>>
      %dma_start3A_83 = arith.constant 0 : i32
      %dma_start3A_84 = arith.constant 0 : i32
      %dma_start3A_85 = tpu.memref_slice %arg4[%dma_start3A_83, %dma_start3A_84] : memref<10000x128xf32, #tpu.memory_space<hbm>> -> memref<10000x128xf32, #tpu.memory_space<hbm>>
      tpu.enqueue_indirect_dma source(%dma_start3A_85 : memref<10000x128xf32, #tpu.memory_space<hbm>>) target(%arg8 : memref<125x128xf32, #tpu.memory_space<vmem>>) offsets(%dma_start3A_82 : memref<125xi32, #tpu.memory_space<vmem>>) semaphore(%arg13 : memref<!tpu.dma_semaphore, #tpu.memory_space<semaphore_mem>>)
      %add3A_86 = arith.addi %mul3A_2, %min3A_79 : i32
      %dma_start3A_87 = arith.constant 0 : i32
      %dma_start3A_88 = arith.constant 0 : i32
      %dma_start3A_89 = tpu.memref_slice %arg3[%add3A_86, %dma_start3A_87, %dma_start3A_88] : memref<2560x1x125xi32, #tpu.memory_space<hbm>> -> memref<1x1x125xi32, #tpu.memory_space<hbm>>
      %dma_start3A_90 = tpu.memref_squeeze %dma_start3A_89 : memref<1x1x125xi32, #tpu.memory_space<hbm>> -> memref<1x125xi32, #tpu.memory_space<hbm>>
      %dma_start3A_91 = arith.constant 0 : i32
      %dma_start3A_92 = arith.constant 0 : i32
      %dma_start3A_93 = tpu.memref_slice %arg3[%add3A_86, %dma_start3A_91, %dma_start3A_92] : memref<2560x1x125xi32, #tpu.memory_space<hbm>> -> memref<1x1x125xi32, #tpu.memory_space<hbm>>
      %dma_start3A_94 = tpu.memref_squeeze %dma_start3A_93 : memref<1x1x125xi32, #tpu.memory_space<hbm>> -> memref<1x125xi32, #tpu.memory_space<hbm>>
      tpu.enqueue_dma source(%dma_start3A_94 : memref<1x125xi32, #tpu.memory_space<hbm>>) target(%arg10 : memref<1x125xi32, #tpu.memory_space<vmem>>) target_semaphore(%arg15 : memref<!tpu.dma_semaphore, #tpu.memory_space<semaphore_mem>>)
      %dma_wait3A_95 = arith.constant 0 : i32
      %dma_wait3A_96 = tpu.memref_slice %arg7[%add3A_47, %dma_wait3A_95] : memref<80x125xi32, #tpu.memory_space<vmem>> -> memref<1x125xi32, #tpu.memory_space<vmem>>
      %dma_wait3A_97 = tpu.memref_squeeze %dma_wait3A_96 : memref<1x125xi32, #tpu.memory_space<vmem>> -> memref<125xi32, #tpu.memory_space<vmem>>
      %dma_wait3A_98 = arith.constant 0 : i32
      %dma_wait3A_99 = arith.constant 0 : i32
      %dma_wait3A_100 = tpu.memref_slice %arg4[%dma_wait3A_98, %dma_wait3A_99] : memref<10000x128xf32, #tpu.memory_space<hbm>> -> memref<10000x128xf32, #tpu.memory_space<hbm>>
      tpu.wait_indirect_dma semaphore(%arg14 : memref<!tpu.dma_semaphore, #tpu.memory_space<semaphore_mem>>) src(%dma_wait3A_100 : memref<10000x128xf32, #tpu.memory_space<hbm>>) dst(%arg9 : memref<125x128xf32, #tpu.memory_space<vmem>>)
      %add3A_101 = arith.addi %mul3A_2, %add3A_47 : i32
      %dma_wait3A_102 = arith.constant 0 : i32
      %dma_wait3A_103 = arith.constant 0 : i32
      %dma_wait3A_104 = tpu.memref_slice %arg3[%add3A_101, %dma_wait3A_102, %dma_wait3A_103] : memref<2560x1x125xi32, #tpu.memory_space<hbm>> -> memref<1x1x125xi32, #tpu.memory_space<hbm>>
      %dma_wait3A_105 = tpu.memref_squeeze %dma_wait3A_104 : memref<1x1x125xi32, #tpu.memory_space<hbm>> -> memref<1x125xi32, #tpu.memory_space<hbm>>
      %dma_wait3A_106 = arith.constant 0 : i32
      %dma_wait3A_107 = arith.constant 0 : i32
      %dma_wait3A_108 = tpu.memref_slice %arg3[%add3A_101, %dma_wait3A_106, %dma_wait3A_107] : memref<2560x1x125xi32, #tpu.memory_space<hbm>> -> memref<1x1x125xi32, #tpu.memory_space<hbm>>
      %dma_wait3A_109 = tpu.memref_squeeze %dma_wait3A_108 : memref<1x1x125xi32, #tpu.memory_space<hbm>> -> memref<1x125xi32, #tpu.memory_space<hbm>>
      tpu.wait_dma2 semaphore(%arg16 : memref<!tpu.dma_semaphore, #tpu.memory_space<semaphore_mem>>) src(%dma_wait3A_109 : memref<1x125xi32, #tpu.memory_space<hbm>>) dst(%arg11 : memref<1x125xi32, #tpu.memory_space<vmem>>)
      %run_scoped3A_110 = arith.constant 0 : i32
      "tpu.region"() ({
        %run_scoped3A_111 = tpu.sem_alloc : memref<!tpu.dma_semaphore, #tpu.memory_space<semaphore_mem>>
        %dma_start3A_112 = arith.constant 0 : i32
        %dma_start3A_113 = tpu.memref_slice %arg11[%run_scoped3A_110, %dma_start3A_112] : memref<1x125xi32, #tpu.memory_space<vmem>> -> memref<1x125xi32, #tpu.memory_space<vmem>>
        %dma_start3A_114 = tpu.memref_squeeze %dma_start3A_113 : memref<1x125xi32, #tpu.memory_space<vmem>> -> memref<125xi32, #tpu.memory_space<vmem>>
        %dma_start3A_115 = arith.constant 0 : i32
        %dma_start3A_116 = arith.constant 0 : i32
        %dma_start3A_117 = tpu.memref_slice %arg12[%dma_start3A_115, %dma_start3A_116] : memref<10000x128xf32, #tpu.memory_space<vmem_shared>> -> memref<10000x128xf32, #tpu.memory_space<vmem_shared>>
        tpu.enqueue_indirect_dma source(%arg9 : memref<125x128xf32, #tpu.memory_space<vmem>>) target(%dma_start3A_117 : memref<10000x128xf32, #tpu.memory_space<vmem_shared>>) offsets(%dma_start3A_114 : memref<125xi32, #tpu.memory_space<vmem>>) semaphore(%run_scoped3A_111 : memref<!tpu.dma_semaphore, #tpu.memory_space<semaphore_mem>>) {add = true}
        %dma_wait3A_118 = arith.constant 0 : i32
        %dma_wait3A_119 = tpu.memref_slice %arg11[%run_scoped3A_110, %dma_wait3A_118] : memref<1x125xi32, #tpu.memory_space<vmem>> -> memref<1x125xi32, #tpu.memory_space<vmem>>
        %dma_wait3A_120 = tpu.memref_squeeze %dma_wait3A_119 : memref<1x125xi32, #tpu.memory_space<vmem>> -> memref<125xi32, #tpu.memory_space<vmem>>
        %dma_wait3A_121 = arith.constant 0 : i32
        %dma_wait3A_122 = arith.constant 0 : i32
        %dma_wait3A_123 = tpu.memref_slice %arg12[%dma_wait3A_121, %dma_wait3A_122] : memref<10000x128xf32, #tpu.memory_space<vmem_shared>> -> memref<10000x128xf32, #tpu.memory_space<vmem_shared>>
        tpu.wait_indirect_dma semaphore(%run_scoped3A_111 : memref<!tpu.dma_semaphore, #tpu.memory_space<semaphore_mem>>) src(%arg9 : memref<125x128xf32, #tpu.memory_space<vmem>>) dst(%dma_wait3A_123 : memref<10000x128xf32, #tpu.memory_space<vmem_shared>>)
        tpu.yield
      }) : () -> ()
    }
    %scan3A_25 = arith.constant 40 : i32
    %dma_wait3A = arith.constant 0 : i32
    %dma_wait3A_26 = arith.constant 0 : i32
    %dma_wait3A_27 = tpu.memref_slice %arg7[%dma_wait3A, %dma_wait3A_26] : memref<80x125xi32, #tpu.memory_space<vmem>> -> memref<1x125xi32, #tpu.memory_space<vmem>>
    %dma_wait3A_28 = tpu.memref_squeeze %dma_wait3A_27 : memref<1x125xi32, #tpu.memory_space<vmem>> -> memref<125xi32, #tpu.memory_space<vmem>>
    %dma_wait3A_29 = arith.constant 0 : i32
    %dma_wait3A_30 = arith.constant 0 : i32
    %dma_wait3A_31 = tpu.memref_slice %arg4[%dma_wait3A_29, %dma_wait3A_30] : memref<10000x128xf32, #tpu.memory_space<hbm>> -> memref<10000x128xf32, #tpu.memory_space<hbm>>
    tpu.wait_indirect_dma semaphore(%arg13 : memref<!tpu.dma_semaphore, #tpu.memory_space<semaphore_mem>>) src(%dma_wait3A_31 : memref<10000x128xf32, #tpu.memory_space<hbm>>) dst(%arg8 : memref<125x128xf32, #tpu.memory_space<vmem>>)
    %dma_wait3A_32 = arith.constant 0 : i32
    %dma_wait3A_33 = arith.constant 0 : i32
    %dma_wait3A_34 = tpu.memref_slice %arg3[%mul3A_2, %dma_wait3A_32, %dma_wait3A_33] : memref<2560x1x125xi32, #tpu.memory_space<hbm>> -> memref<1x1x125xi32, #tpu.memory_space<hbm>>
    %dma_wait3A_35 = tpu.memref_squeeze %dma_wait3A_34 : memref<1x1x125xi32, #tpu.memory_space<hbm>> -> memref<1x125xi32, #tpu.memory_space<hbm>>
    %dma_wait3A_36 = arith.constant 0 : i32
    %dma_wait3A_37 = arith.constant 0 : i32
    %dma_wait3A_38 = tpu.memref_slice %arg3[%mul3A_2, %dma_wait3A_36, %dma_wait3A_37] : memref<2560x1x125xi32, #tpu.memory_space<hbm>> -> memref<1x1x125xi32, #tpu.memory_space<hbm>>
    %dma_wait3A_39 = tpu.memref_squeeze %dma_wait3A_38 : memref<1x1x125xi32, #tpu.memory_space<hbm>> -> memref<1x125xi32, #tpu.memory_space<hbm>>
    tpu.wait_dma2 semaphore(%arg15 : memref<!tpu.dma_semaphore, #tpu.memory_space<semaphore_mem>>) src(%dma_wait3A_39 : memref<1x125xi32, #tpu.memory_space<hbm>>) dst(%arg10 : memref<1x125xi32, #tpu.memory_space<vmem>>)
    %barrier3A_40 = arith.constant 0 : index
    tpu.barrier barrier_id(%barrier3A_40)
    %mul3A_41 = arith.constant 625 : i32
    %mul3A_42 = arith.muli %arg1, %mul3A_41 : i32
    "tpu.region"() ({
      %run_scoped3A = tpu.sem_alloc : memref<!tpu.dma_semaphore, #tpu.memory_space<semaphore_mem>>
      %dma_start3A_43 = arith.constant 0 : i32
      %dma_start3A_44 = arith.constant 0 : i32
      %dma_start3A_45 = tpu.memref_slice %arg6[%add3A, %dma_start3A_43, %dma_start3A_44] : memref<32x625x128xf32, #tpu.memory_space<hbm>> -> memref<1x625x128xf32, #tpu.memory_space<hbm>>
      %dma_start3A_46 = tpu.memref_squeeze %dma_start3A_45 : memref<1x625x128xf32, #tpu.memory_space<hbm>> -> memref<625x128xf32, #tpu.memory_space<hbm>>
      %dma_start3A_47 = arith.constant 0 : i32
      %dma_start3A_48 = tpu.memref_slice %arg12[%mul3A_42, %dma_start3A_47] : memref<10000x128xf32, #tpu.memory_space<vmem_shared>> -> memref<625x128xf32, #tpu.memory_space<vmem_shared>>
      tpu.enqueue_dma source(%dma_start3A_48 : memref<625x128xf32, #tpu.memory_space<vmem_shared>>) target(%dma_start3A_46 : memref<625x128xf32, #tpu.memory_space<hbm>>) target_semaphore(%run_scoped3A : memref<!tpu.dma_semaphore, #tpu.memory_space<semaphore_mem>>)
      %dma_wait3A_49 = arith.constant 0 : i32
      %dma_wait3A_50 = arith.constant 0 : i32
      %dma_wait3A_51 = tpu.memref_slice %arg6[%add3A, %dma_wait3A_49, %dma_wait3A_50] : memref<32x625x128xf32, #tpu.memory_space<hbm>> -> memref<1x625x128xf32, #tpu.memory_space<hbm>>
      %dma_wait3A_52 = tpu.memref_squeeze %dma_wait3A_51 : memref<1x625x128xf32, #tpu.memory_space<hbm>> -> memref<625x128xf32, #tpu.memory_space<hbm>>
      %dma_wait3A_53 = arith.constant 0 : i32
      %dma_wait3A_54 = tpu.memref_slice %arg12[%mul3A_42, %dma_wait3A_53] : memref<10000x128xf32, #tpu.memory_space<vmem_shared>> -> memref<625x128xf32, #tpu.memory_space<vmem_shared>>
      tpu.wait_dma2 semaphore(%run_scoped3A : memref<!tpu.dma_semaphore, #tpu.memory_space<semaphore_mem>>) src(%dma_wait3A_54 : memref<625x128xf32, #tpu.memory_space<vmem_shared>>) dst(%dma_wait3A_52 : memref<625x128xf32, #tpu.memory_space<hbm>>)
      tpu.yield
    }) : () -> ()
    return
  }
}

module attributes {stable_mosaic.version = 14 : i64} {
  func.func @_enc_body(%arg0: i32, %arg1: memref<2000x128xf32, #tpu.memory_space<vmem>>, %arg2: memref<2000x32xf32, #tpu.memory_space<vmem>>, %arg3: memref<128x128xf32, #tpu.memory_space<vmem>>, %arg4: memref<1x128xf32, #tpu.memory_space<vmem>>, %arg5: memref<128x128xf32, #tpu.memory_space<vmem>>, %arg6: memref<2000x128xf32, #tpu.memory_space<vmem>>, %arg7: memref<2000x128xf32, #tpu.memory_space<vmem>>) attributes {dimension_semantics = [#tpu.dimension_semantics<arbitrary>], iteration_bounds = array<i64: 5>, scalar_prefetch = 0 : i64, scratch_operands = 0 : i64, tpu.core_type = #tpu.core_type<tc>, window_params = [{transform_indices = @transform_0, window_bounds = array<i64: 2000, 128>}, {transform_indices = @transform_1, window_bounds = array<i64: 2000, 32>}, {pipeline_mode = #tpu.pipeline_mode<synchronous>, transform_indices = @transform_2, window_bounds = array<i64: 128, 128>}, {pipeline_mode = #tpu.pipeline_mode<synchronous>, transform_indices = @transform_3, window_bounds = array<i64: 1, 128>}, {pipeline_mode = #tpu.pipeline_mode<synchronous>, transform_indices = @transform_4, window_bounds = array<i64: 128, 128>}, {transform_indices = @transform_5, window_bounds = array<i64: 2000, 128>}, {transform_indices = @transform_6, window_bounds = array<i64: 2000, 128>}]} {
    %get3A = arith.constant 0 : index
    %get3A_0 = arith.constant 0 : index
    %get3A_1 = vector.load %arg1[%get3A, %get3A_0] : memref<2000x128xf32, #tpu.memory_space<vmem>>, vector<2000x128xf32>
    %get3A_2 = arith.constant 0 : index
    %get3A_3 = arith.constant 0 : index
    %get3A_4 = vector.load %arg3[%get3A_2, %get3A_3] : memref<128x128xf32, #tpu.memory_space<vmem>>, vector<128x128xf32>
    %dot_general3A = arith.constant dense<0.000000e+00> : vector<2000x128xf32>
    %dot_general3A_5 = tpu.matmul %get3A_1, %get3A_4, %dot_general3A {dimension_numbers = #tpu.dot_dimension_numbers<[1], [0], [0], [1], [0, 0, 1, 1], [], []>, transpose_lhs_hint = false} : vector<2000x128xf32>, vector<128x128xf32>, vector<2000x128xf32> -> vector<2000x128xf32>
    %get3A_6 = arith.constant 0 : index
    %get3A_7 = arith.constant 0 : index
    %get3A_8 = vector.load %arg4[%get3A_6, %get3A_7] : memref<1x128xf32, #tpu.memory_space<vmem>>, vector<1x128xf32>
    %add3A = vector.broadcast %get3A_8 : vector<1x128xf32> to vector<2000x128xf32>
    %add3A_9 = arith.addf %dot_general3A_5, %add3A : vector<2000x128xf32>
    %max3A = arith.constant 0.000000e+00 : f32
    %max3A_10 = vector.broadcast %max3A : f32 to vector<2000x128xf32>
    %max3A_11 = arith.maximumf %add3A_9, %max3A_10 : vector<2000x128xf32>
    %get3A_12 = arith.constant 0 : index
    %get3A_13 = arith.constant 0 : index
    %get3A_14 = vector.load %arg2[%get3A_12, %get3A_13] : memref<2000x32xf32, #tpu.memory_space<vmem>>, vector<2000x32xf32>
    %reduce_sum3A = arith.constant dense<0.000000e+00> : vector<2000xf32>
    %reduce_sum3A_15 = vector.multi_reduction <add>, %get3A_14, %reduce_sum3A [1] : vector<2000x32xf32> to vector<2000xf32>
    %broadcast_in_dim3A = vector.shape_cast %reduce_sum3A_15 : vector<2000xf32> to vector<2000x1xf32>
    %add3A_16 = arith.constant 1.000000e+00 : f32
    %add3A_17 = vector.broadcast %add3A_16 : f32 to vector<2000x1xf32>
    %add3A_18 = arith.addf %broadcast_in_dim3A, %add3A_17 : vector<2000x1xf32>
    %rsqrt3A = math.rsqrt %add3A_18 : vector<2000x1xf32>
    %broadcast_in_dim3A_19 = vector.shape_cast %rsqrt3A : vector<2000x1xf32> to vector<2000x1xf32>
    %broadcast_in_dim3A_20 = vector.broadcast %broadcast_in_dim3A_19 : vector<2000x1xf32> to vector<2000x128xf32>
    %swap3A = arith.constant 0 : index
    %swap3A_21 = arith.constant 0 : index
    %swap3A_22 = vector.load %arg7[%swap3A, %swap3A_21] : memref<2000x128xf32, #tpu.memory_space<vmem>>, vector<2000x128xf32>
    tpu.vector_store %arg7[%swap3A, %swap3A_21], %broadcast_in_dim3A_20 {strides = array<i32>} : memref<2000x128xf32, #tpu.memory_space<vmem>>, vector<2000x128xf32>,
    %get3A_23 = arith.constant 0 : index
    %get3A_24 = arith.constant 0 : index
    %get3A_25 = vector.load %arg5[%get3A_23, %get3A_24] : memref<128x128xf32, #tpu.memory_space<vmem>>, vector<128x128xf32>
    %dot_general3A_26 = arith.constant dense<0.000000e+00> : vector<2000x128xf32>
    %dot_general3A_27 = tpu.matmul %max3A_11, %get3A_25, %dot_general3A_26 {dimension_numbers = #tpu.dot_dimension_numbers<[1], [0], [0], [1], [0, 0, 1, 1], [], []>, transpose_lhs_hint = false} : vector<2000x128xf32>, vector<128x128xf32>, vector<2000x128xf32> -> vector<2000x128xf32>
    %mul3A = arith.mulf %dot_general3A_27, %broadcast_in_dim3A_20 : vector<2000x128xf32>
    %swap3A_28 = arith.constant 0 : index
    %swap3A_29 = arith.constant 0 : index
    %swap3A_30 = vector.load %arg6[%swap3A_28, %swap3A_29] : memref<2000x128xf32, #tpu.memory_space<vmem>>, vector<2000x128xf32>
    tpu.vector_store %arg6[%swap3A_28, %swap3A_29], %mul3A {strides = array<i32>} : memref<2000x128xf32, #tpu.memory_space<vmem>>, vector<2000x128xf32>,
    return
  }
  func.func @transform_0(%arg0: i32) -> (i32, i32) {
    %c0_i32 = arith.constant 0 : i32
    %c0_i32_0 = arith.constant 0 : i32
    return %arg0, %c0_i32 : i32, i32
  }
  func.func @transform_1(%arg0: i32) -> (i32, i32) {
    %c0_i32 = arith.constant 0 : i32
    %c0_i32_0 = arith.constant 0 : i32
    return %arg0, %c0_i32 : i32, i32
  }
  func.func @transform_2(%arg0: i32) -> (i32, i32) {
    %c0_i32 = arith.constant 0 : i32
    %c0_i32_0 = arith.constant 0 : i32
    %c0_i32_1 = arith.constant 0 : i32
    return %c0_i32, %c0_i32_0 : i32, i32
  }
  func.func @transform_3(%arg0: i32) -> (i32, i32) {
    %c0_i32 = arith.constant 0 : i32
    %c0_i32_0 = arith.constant 0 : i32
    %c0_i32_1 = arith.constant 0 : i32
    return %c0_i32, %c0_i32_0 : i32, i32
  }
  func.func @transform_4(%arg0: i32) -> (i32, i32) {
    %c0_i32 = arith.constant 0 : i32
    %c0_i32_0 = arith.constant 0 : i32
    %c0_i32_1 = arith.constant 0 : i32
    return %c0_i32, %c0_i32_0 : i32, i32
  }
  func.func @transform_5(%arg0: i32) -> (i32, i32) {
    %c0_i32 = arith.constant 0 : i32
    %c0_i32_0 = arith.constant 0 : i32
    return %arg0, %c0_i32 : i32, i32
  }
  func.func @transform_6(%arg0: i32) -> (i32, i32) {
    %c0_i32 = arith.constant 0 : i32
    %c0_i32_0 = arith.constant 0 : i32
    return %arg0, %c0_i32 : i32, i32
  }
}

module attributes {stable_mosaic.version = 14 : i64} {
  func.func @_layer_body(%arg0: i32, %arg1: memref<2000x128xf32, #tpu.memory_space<vmem>>, %arg2: memref<2000x128xf32, #tpu.memory_space<vmem>>, %arg3: memref<2000x128xf32, #tpu.memory_space<vmem>>, %arg4: memref<2000x128xf32, #tpu.memory_space<vmem>>, %arg5: memref<1x128xf32, #tpu.memory_space<vmem>>, %arg6: memref<1x128xf32, #tpu.memory_space<vmem>>, %arg7: memref<1x128xf32, #tpu.memory_space<vmem>>, %arg8: memref<2000x128xf32, #tpu.memory_space<vmem>>, %arg9: memref<128x128xf32, #tpu.memory_space<vmem>>, %arg10: memref<2000x128xf32, #tpu.memory_space<vmem>>, %arg11: memref<2000x128xf32, #tpu.memory_space<vmem>>) attributes {dimension_semantics = [#tpu.dimension_semantics<arbitrary>], iteration_bounds = array<i64: 5>, scalar_prefetch = 0 : i64, scratch_operands = 0 : i64, tpu.core_type = #tpu.core_type<tc>, window_params = [{transform_indices = @transform_0, window_bounds = array<i64: 2000, 128>}, {transform_indices = @transform_1, window_bounds = array<i64: 2000, 128>}, {transform_indices = @transform_2, window_bounds = array<i64: 2000, 128>}, {transform_indices = @transform_3, window_bounds = array<i64: 2000, 128>}, {pipeline_mode = #tpu.pipeline_mode<synchronous>, transform_indices = @transform_4, window_bounds = array<i64: 1, 128>}, {pipeline_mode = #tpu.pipeline_mode<synchronous>, transform_indices = @transform_5, window_bounds = array<i64: 1, 128>}, {pipeline_mode = #tpu.pipeline_mode<synchronous>, transform_indices = @transform_6, window_bounds = array<i64: 1, 128>}, {transform_indices = @transform_7, window_bounds = array<i64: 2000, 128>}, {pipeline_mode = #tpu.pipeline_mode<synchronous>, transform_indices = @transform_8, window_bounds = array<i64: 128, 128>}, {transform_indices = @transform_9, window_bounds = array<i64: 2000, 128>}, {transform_indices = @transform_10, window_bounds = array<i64: 2000, 128>}]} {
    %get3A = arith.constant 0 : index
    %get3A_0 = arith.constant 0 : index
    %get3A_1 = vector.load %arg1[%get3A, %get3A_0] : memref<2000x128xf32, #tpu.memory_space<vmem>>, vector<2000x128xf32>
    %get3A_2 = arith.constant 0 : index
    %get3A_3 = arith.constant 0 : index
    %get3A_4 = vector.load %arg2[%get3A_2, %get3A_3] : memref<2000x128xf32, #tpu.memory_space<vmem>>, vector<2000x128xf32>
    %add3A = arith.addf %get3A_1, %get3A_4 : vector<2000x128xf32>
    %get3A_5 = arith.constant 0 : index
    %get3A_6 = arith.constant 0 : index
    %get3A_7 = vector.load %arg3[%get3A_5, %get3A_6] : memref<2000x128xf32, #tpu.memory_space<vmem>>, vector<2000x128xf32>
    %add3A_8 = arith.addf %add3A, %get3A_7 : vector<2000x128xf32>
    %get3A_9 = arith.constant 0 : index
    %get3A_10 = arith.constant 0 : index
    %get3A_11 = vector.load %arg4[%get3A_9, %get3A_10] : memref<2000x128xf32, #tpu.memory_space<vmem>>, vector<2000x128xf32>
    %mul3A = arith.mulf %add3A_8, %get3A_11 : vector<2000x128xf32>
    %get3A_12 = arith.constant 0 : index
    %get3A_13 = arith.constant 0 : index
    %get3A_14 = vector.load %arg5[%get3A_12, %get3A_13] : memref<1x128xf32, #tpu.memory_space<vmem>>, vector<1x128xf32>
    %add3A_15 = vector.broadcast %get3A_14 : vector<1x128xf32> to vector<2000x128xf32>
    %add3A_16 = arith.addf %mul3A, %add3A_15 : vector<2000x128xf32>
    %get3A_17 = arith.constant 0 : index
    %get3A_18 = arith.constant 0 : index
    %get3A_19 = vector.load %arg6[%get3A_17, %get3A_18] : memref<1x128xf32, #tpu.memory_space<vmem>>, vector<1x128xf32>
    %mul3A_20 = vector.broadcast %get3A_19 : vector<1x128xf32> to vector<2000x128xf32>
    %mul3A_21 = arith.mulf %add3A_16, %mul3A_20 : vector<2000x128xf32>
    %get3A_22 = arith.constant 0 : index
    %get3A_23 = arith.constant 0 : index
    %get3A_24 = vector.load %arg7[%get3A_22, %get3A_23] : memref<1x128xf32, #tpu.memory_space<vmem>>, vector<1x128xf32>
    %add3A_25 = vector.broadcast %get3A_24 : vector<1x128xf32> to vector<2000x128xf32>
    %add3A_26 = arith.addf %mul3A_21, %add3A_25 : vector<2000x128xf32>
    %max3A = arith.constant 0.000000e+00 : f32
    %max3A_27 = vector.broadcast %max3A : f32 to vector<2000x128xf32>
    %max3A_28 = arith.maximumf %add3A_26, %max3A_27 : vector<2000x128xf32>
    %swap3A = arith.constant 0 : index
    %swap3A_29 = arith.constant 0 : index
    %swap3A_30 = vector.load %arg10[%swap3A, %swap3A_29] : memref<2000x128xf32, #tpu.memory_space<vmem>>, vector<2000x128xf32>
    tpu.vector_store %arg10[%swap3A, %swap3A_29], %max3A_28 {strides = array<i32>} : memref<2000x128xf32, #tpu.memory_space<vmem>>, vector<2000x128xf32>,
    %get3A_31 = arith.constant 0 : index
    %get3A_32 = arith.constant 0 : index
    %get3A_33 = vector.load %arg9[%get3A_31, %get3A_32] : memref<128x128xf32, #tpu.memory_space<vmem>>, vector<128x128xf32>
    %dot_general3A = arith.constant dense<0.000000e+00> : vector<2000x128xf32>
    %dot_general3A_34 = tpu.matmul %max3A_28, %get3A_33, %dot_general3A {dimension_numbers = #tpu.dot_dimension_numbers<[1], [0], [0], [1], [0, 0, 1, 1], [], []>, transpose_lhs_hint = false} : vector<2000x128xf32>, vector<128x128xf32>, vector<2000x128xf32> -> vector<2000x128xf32>
    %get3A_35 = arith.constant 0 : index
    %get3A_36 = arith.constant 0 : index
    %get3A_37 = vector.load %arg4[%get3A_35, %get3A_36] : memref<2000x128xf32, #tpu.memory_space<vmem>>, vector<2000x128xf32>
    %mul3A_38 = arith.mulf %dot_general3A_34, %get3A_37 : vector<2000x128xf32>
    %swap3A_39 = arith.constant 0 : index
    %swap3A_40 = arith.constant 0 : index
    %swap3A_41 = vector.load %arg11[%swap3A_39, %swap3A_40] : memref<2000x128xf32, #tpu.memory_space<vmem>>, vector<2000x128xf32>
    tpu.vector_store %arg11[%swap3A_39, %swap3A_40], %mul3A_38 {strides = array<i32>} : memref<2000x128xf32, #tpu.memory_space<vmem>>, vector<2000x128xf32>,
    return
  }
  func.func @transform_0(%arg0: i32) -> (i32, i32) {
    %c0_i32 = arith.constant 0 : i32
    %c0_i32_0 = arith.constant 0 : i32
    return %arg0, %c0_i32 : i32, i32
  }
  func.func @transform_1(%arg0: i32) -> (i32, i32) {
    %add3A = arith.constant 5 : i32
    %add3A_0 = arith.addi %arg0, %add3A : i32
    %c0_i32 = arith.constant 0 : i32
    %c0_i32_1 = arith.constant 0 : i32
    return %add3A_0, %c0_i32 : i32, i32
  }
  func.func @transform_2(%arg0: i32) -> (i32, i32) {
    %c0_i32 = arith.constant 0 : i32
    %c0_i32_0 = arith.constant 0 : i32
    return %arg0, %c0_i32 : i32, i32
  }
  func.func @transform_3(%arg0: i32) -> (i32, i32) {
    %c0_i32 = arith.constant 0 : i32
    %c0_i32_0 = arith.constant 0 : i32
    return %arg0, %c0_i32 : i32, i32
  }
  func.func @transform_4(%arg0: i32) -> (i32, i32) {
    %c0_i32 = arith.constant 0 : i32
    %c0_i32_0 = arith.constant 0 : i32
    %c0_i32_1 = arith.constant 0 : i32
    return %c0_i32, %c0_i32_0 : i32, i32
  }
  func.func @transform_5(%arg0: i32) -> (i32, i32) {
    %c0_i32 = arith.constant 0 : i32
    %c0_i32_0 = arith.constant 0 : i32
    %c0_i32_1 = arith.constant 0 : i32
    return %c0_i32, %c0_i32_0 : i32, i32
  }
  func.func @transform_6(%arg0: i32) -> (i32, i32) {
    %c0_i32 = arith.constant 0 : i32
    %c0_i32_0 = arith.constant 0 : i32
    %c0_i32_1 = arith.constant 0 : i32
    return %c0_i32, %c0_i32_0 : i32, i32
  }
  func.func @transform_7(%arg0: i32) -> (i32, i32) {
    %c0_i32 = arith.constant 0 : i32
    %c0_i32_0 = arith.constant 0 : i32
    return %arg0, %c0_i32 : i32, i32
  }
  func.func @transform_8(%arg0: i32) -> (i32, i32) {
    %c0_i32 = arith.constant 0 : i32
    %c0_i32_0 = arith.constant 0 : i32
    %c0_i32_1 = arith.constant 0 : i32
    return %c0_i32, %c0_i32_0 : i32, i32
  }
  func.func @transform_9(%arg0: i32) -> (i32, i32) {
    %c0_i32 = arith.constant 0 : i32
    %c0_i32_0 = arith.constant 0 : i32
    return %arg0, %c0_i32 : i32, i32
  }
  func.func @transform_10(%arg0: i32) -> (i32, i32) {
    %c0_i32 = arith.constant 0 : i32
    %c0_i32_0 = arith.constant 0 : i32
    return %arg0, %c0_i32 : i32, i32
  }
}

module attributes {stable_mosaic.version = 14 : i64} {
  func.func @_layer_body(%arg0: i32, %arg1: memref<2000x128xf32, #tpu.memory_space<vmem>>, %arg2: memref<2000x128xf32, #tpu.memory_space<vmem>>, %arg3: memref<2000x128xf32, #tpu.memory_space<vmem>>, %arg4: memref<2000x128xf32, #tpu.memory_space<vmem>>, %arg5: memref<1x128xf32, #tpu.memory_space<vmem>>, %arg6: memref<1x128xf32, #tpu.memory_space<vmem>>, %arg7: memref<1x128xf32, #tpu.memory_space<vmem>>, %arg8: memref<2000x128xf32, #tpu.memory_space<vmem>>, %arg9: memref<128x128xf32, #tpu.memory_space<vmem>>, %arg10: memref<2000x128xf32, #tpu.memory_space<vmem>>, %arg11: memref<2000x128xf32, #tpu.memory_space<vmem>>) attributes {dimension_semantics = [#tpu.dimension_semantics<arbitrary>], iteration_bounds = array<i64: 5>, scalar_prefetch = 0 : i64, scratch_operands = 0 : i64, tpu.core_type = #tpu.core_type<tc>, window_params = [{transform_indices = @transform_0, window_bounds = array<i64: 2000, 128>}, {transform_indices = @transform_1, window_bounds = array<i64: 2000, 128>}, {transform_indices = @transform_2, window_bounds = array<i64: 2000, 128>}, {transform_indices = @transform_3, window_bounds = array<i64: 2000, 128>}, {pipeline_mode = #tpu.pipeline_mode<synchronous>, transform_indices = @transform_4, window_bounds = array<i64: 1, 128>}, {pipeline_mode = #tpu.pipeline_mode<synchronous>, transform_indices = @transform_5, window_bounds = array<i64: 1, 128>}, {pipeline_mode = #tpu.pipeline_mode<synchronous>, transform_indices = @transform_6, window_bounds = array<i64: 1, 128>}, {transform_indices = @transform_7, window_bounds = array<i64: 2000, 128>}, {pipeline_mode = #tpu.pipeline_mode<synchronous>, transform_indices = @transform_8, window_bounds = array<i64: 128, 128>}, {transform_indices = @transform_9, window_bounds = array<i64: 2000, 128>}, {transform_indices = @transform_10, window_bounds = array<i64: 2000, 128>}]} {
    %get3A = arith.constant 0 : index
    %get3A_0 = arith.constant 0 : index
    %get3A_1 = vector.load %arg1[%get3A, %get3A_0] : memref<2000x128xf32, #tpu.memory_space<vmem>>, vector<2000x128xf32>
    %get3A_2 = arith.constant 0 : index
    %get3A_3 = arith.constant 0 : index
    %get3A_4 = vector.load %arg2[%get3A_2, %get3A_3] : memref<2000x128xf32, #tpu.memory_space<vmem>>, vector<2000x128xf32>
    %add3A = arith.addf %get3A_1, %get3A_4 : vector<2000x128xf32>
    %get3A_5 = arith.constant 0 : index
    %get3A_6 = arith.constant 0 : index
    %get3A_7 = vector.load %arg3[%get3A_5, %get3A_6] : memref<2000x128xf32, #tpu.memory_space<vmem>>, vector<2000x128xf32>
    %add3A_8 = arith.addf %add3A, %get3A_7 : vector<2000x128xf32>
    %get3A_9 = arith.constant 0 : index
    %get3A_10 = arith.constant 0 : index
    %get3A_11 = vector.load %arg4[%get3A_9, %get3A_10] : memref<2000x128xf32, #tpu.memory_space<vmem>>, vector<2000x128xf32>
    %mul3A = arith.mulf %add3A_8, %get3A_11 : vector<2000x128xf32>
    %get3A_12 = arith.constant 0 : index
    %get3A_13 = arith.constant 0 : index
    %get3A_14 = vector.load %arg5[%get3A_12, %get3A_13] : memref<1x128xf32, #tpu.memory_space<vmem>>, vector<1x128xf32>
    %add3A_15 = vector.broadcast %get3A_14 : vector<1x128xf32> to vector<2000x128xf32>
    %add3A_16 = arith.addf %mul3A, %add3A_15 : vector<2000x128xf32>
    %get3A_17 = arith.constant 0 : index
    %get3A_18 = arith.constant 0 : index
    %get3A_19 = vector.load %arg6[%get3A_17, %get3A_18] : memref<1x128xf32, #tpu.memory_space<vmem>>, vector<1x128xf32>
    %mul3A_20 = vector.broadcast %get3A_19 : vector<1x128xf32> to vector<2000x128xf32>
    %mul3A_21 = arith.mulf %add3A_16, %mul3A_20 : vector<2000x128xf32>
    %get3A_22 = arith.constant 0 : index
    %get3A_23 = arith.constant 0 : index
    %get3A_24 = vector.load %arg7[%get3A_22, %get3A_23] : memref<1x128xf32, #tpu.memory_space<vmem>>, vector<1x128xf32>
    %add3A_25 = vector.broadcast %get3A_24 : vector<1x128xf32> to vector<2000x128xf32>
    %add3A_26 = arith.addf %mul3A_21, %add3A_25 : vector<2000x128xf32>
    %max3A = arith.constant 0.000000e+00 : f32
    %max3A_27 = vector.broadcast %max3A : f32 to vector<2000x128xf32>
    %max3A_28 = arith.maximumf %add3A_26, %max3A_27 : vector<2000x128xf32>
    %get3A_29 = arith.constant 0 : index
    %get3A_30 = arith.constant 0 : index
    %get3A_31 = vector.load %arg8[%get3A_29, %get3A_30] : memref<2000x128xf32, #tpu.memory_space<vmem>>, vector<2000x128xf32>
    %add3A_32 = arith.addf %max3A_28, %get3A_31 : vector<2000x128xf32>
    %swap3A = arith.constant 0 : index
    %swap3A_33 = arith.constant 0 : index
    %swap3A_34 = vector.load %arg10[%swap3A, %swap3A_33] : memref<2000x128xf32, #tpu.memory_space<vmem>>, vector<2000x128xf32>
    tpu.vector_store %arg10[%swap3A, %swap3A_33], %add3A_32 {strides = array<i32>} : memref<2000x128xf32, #tpu.memory_space<vmem>>, vector<2000x128xf32>,
    %get3A_35 = arith.constant 0 : index
    %get3A_36 = arith.constant 0 : index
    %get3A_37 = vector.load %arg9[%get3A_35, %get3A_36] : memref<128x128xf32, #tpu.memory_space<vmem>>, vector<128x128xf32>
    %dot_general3A = arith.constant dense<0.000000e+00> : vector<2000x128xf32>
    %dot_general3A_38 = tpu.matmul %add3A_32, %get3A_37, %dot_general3A {dimension_numbers = #tpu.dot_dimension_numbers<[1], [0], [0], [1], [0, 0, 1, 1], [], []>, transpose_lhs_hint = false} : vector<2000x128xf32>, vector<128x128xf32>, vector<2000x128xf32> -> vector<2000x128xf32>
    %get3A_39 = arith.constant 0 : index
    %get3A_40 = arith.constant 0 : index
    %get3A_41 = vector.load %arg4[%get3A_39, %get3A_40] : memref<2000x128xf32, #tpu.memory_space<vmem>>, vector<2000x128xf32>
    %mul3A_42 = arith.mulf %dot_general3A_38, %get3A_41 : vector<2000x128xf32>
    %swap3A_43 = arith.constant 0 : index
    %swap3A_44 = arith.constant 0 : index
    %swap3A_45 = vector.load %arg11[%swap3A_43, %swap3A_44] : memref<2000x128xf32, #tpu.memory_space<vmem>>, vector<2000x128xf32>
    tpu.vector_store %arg11[%swap3A_43, %swap3A_44], %mul3A_42 {strides = array<i32>} : memref<2000x128xf32, #tpu.memory_space<vmem>>, vector<2000x128xf32>,
    return
  }
  func.func @transform_0(%arg0: i32) -> (i32, i32) {
    %c0_i32 = arith.constant 0 : i32
    %c0_i32_0 = arith.constant 0 : i32
    return %arg0, %c0_i32 : i32, i32
  }
  func.func @transform_1(%arg0: i32) -> (i32, i32) {
    %add3A = arith.constant 5 : i32
    %add3A_0 = arith.addi %arg0, %add3A : i32
    %c0_i32 = arith.constant 0 : i32
    %c0_i32_1 = arith.constant 0 : i32
    return %add3A_0, %c0_i32 : i32, i32
  }
  func.func @transform_2(%arg0: i32) -> (i32, i32) {
    %c0_i32 = arith.constant 0 : i32
    %c0_i32_0 = arith.constant 0 : i32
    return %arg0, %c0_i32 : i32, i32
  }
  func.func @transform_3(%arg0: i32) -> (i32, i32) {
    %c0_i32 = arith.constant 0 : i32
    %c0_i32_0 = arith.constant 0 : i32
    return %arg0, %c0_i32 : i32, i32
  }
  func.func @transform_4(%arg0: i32) -> (i32, i32) {
    %c0_i32 = arith.constant 0 : i32
    %c0_i32_0 = arith.constant 0 : i32
    %c0_i32_1 = arith.constant 0 : i32
    return %c0_i32, %c0_i32_0 : i32, i32
  }
  func.func @transform_5(%arg0: i32) -> (i32, i32) {
    %c0_i32 = arith.constant 0 : i32
    %c0_i32_0 = arith.constant 0 : i32
    %c0_i32_1 = arith.constant 0 : i32
    return %c0_i32, %c0_i32_0 : i32, i32
  }
  func.func @transform_6(%arg0: i32) -> (i32, i32) {
    %c0_i32 = arith.constant 0 : i32
    %c0_i32_0 = arith.constant 0 : i32
    %c0_i32_1 = arith.constant 0 : i32
    return %c0_i32, %c0_i32_0 : i32, i32
  }
  func.func @transform_7(%arg0: i32) -> (i32, i32) {
    %c0_i32 = arith.constant 0 : i32
    %c0_i32_0 = arith.constant 0 : i32
    return %arg0, %c0_i32 : i32, i32
  }
  func.func @transform_8(%arg0: i32) -> (i32, i32) {
    %c0_i32 = arith.constant 0 : i32
    %c0_i32_0 = arith.constant 0 : i32
    %c0_i32_1 = arith.constant 0 : i32
    return %c0_i32, %c0_i32_0 : i32, i32
  }
  func.func @transform_9(%arg0: i32) -> (i32, i32) {
    %c0_i32 = arith.constant 0 : i32
    %c0_i32_0 = arith.constant 0 : i32
    return %arg0, %c0_i32 : i32, i32
  }
  func.func @transform_10(%arg0: i32) -> (i32, i32) {
    %c0_i32 = arith.constant 0 : i32
    %c0_i32_0 = arith.constant 0 : i32
    return %arg0, %c0_i32 : i32, i32
  }
}

module attributes {stable_mosaic.version = 14 : i64} {
  func.func @_final_body(%arg0: i32, %arg1: memref<2000x128xf32, #tpu.memory_space<vmem>>, %arg2: memref<2000x128xf32, #tpu.memory_space<vmem>>, %arg3: memref<2000x128xf32, #tpu.memory_space<vmem>>, %arg4: memref<2000x128xf32, #tpu.memory_space<vmem>>, %arg5: memref<1x128xf32, #tpu.memory_space<vmem>>, %arg6: memref<1x128xf32, #tpu.memory_space<vmem>>, %arg7: memref<1x128xf32, #tpu.memory_space<vmem>>, %arg8: memref<2000x128xf32, #tpu.memory_space<vmem>>, %arg9: memref<128x64xf32, #tpu.memory_space<vmem>>, %arg10: memref<1x64xf32, #tpu.memory_space<vmem>>, %arg11: memref<64x72xf32, #tpu.memory_space<vmem>>, %arg12: memref<1x72xf32, #tpu.memory_space<vmem>>, %arg13: memref<2000x72xf32, #tpu.memory_space<vmem>>) attributes {dimension_semantics = [#tpu.dimension_semantics<arbitrary>], iteration_bounds = array<i64: 5>, scalar_prefetch = 0 : i64, scratch_operands = 0 : i64, tpu.core_type = #tpu.core_type<tc>, window_params = [{transform_indices = @transform_0, window_bounds = array<i64: 2000, 128>}, {transform_indices = @transform_1, window_bounds = array<i64: 2000, 128>}, {transform_indices = @transform_2, window_bounds = array<i64: 2000, 128>}, {transform_indices = @transform_3, window_bounds = array<i64: 2000, 128>}, {pipeline_mode = #tpu.pipeline_mode<synchronous>, transform_indices = @transform_4, window_bounds = array<i64: 1, 128>}, {pipeline_mode = #tpu.pipeline_mode<synchronous>, transform_indices = @transform_5, window_bounds = array<i64: 1, 128>}, {pipeline_mode = #tpu.pipeline_mode<synchronous>, transform_indices = @transform_6, window_bounds = array<i64: 1, 128>}, {transform_indices = @transform_7, window_bounds = array<i64: 2000, 128>}, {pipeline_mode = #tpu.pipeline_mode<synchronous>, transform_indices = @transform_8, window_bounds = array<i64: 128, 64>}, {pipeline_mode = #tpu.pipeline_mode<synchronous>, transform_indices = @transform_9, window_bounds = array<i64: 1, 64>}, {pipeline_mode = #tpu.pipeline_mode<synchronous>, transform_indices = @transform_10, window_bounds = array<i64: 64, 72>}, {pipeline_mode = #tpu.pipeline_mode<synchronous>, transform_indices = @transform_11, window_bounds = array<i64: 1, 72>}, {transform_indices = @transform_12, window_bounds = array<i64: 2000, 72>}]} {
    %get3A = arith.constant 0 : index
    %get3A_0 = arith.constant 0 : index
    %get3A_1 = vector.load %arg1[%get3A, %get3A_0] : memref<2000x128xf32, #tpu.memory_space<vmem>>, vector<2000x128xf32>
    %get3A_2 = arith.constant 0 : index
    %get3A_3 = arith.constant 0 : index
    %get3A_4 = vector.load %arg2[%get3A_2, %get3A_3] : memref<2000x128xf32, #tpu.memory_space<vmem>>, vector<2000x128xf32>
    %add3A = arith.addf %get3A_1, %get3A_4 : vector<2000x128xf32>
    %get3A_5 = arith.constant 0 : index
    %get3A_6 = arith.constant 0 : index
    %get3A_7 = vector.load %arg3[%get3A_5, %get3A_6] : memref<2000x128xf32, #tpu.memory_space<vmem>>, vector<2000x128xf32>
    %add3A_8 = arith.addf %add3A, %get3A_7 : vector<2000x128xf32>
    %get3A_9 = arith.constant 0 : index
    %get3A_10 = arith.constant 0 : index
    %get3A_11 = vector.load %arg4[%get3A_9, %get3A_10] : memref<2000x128xf32, #tpu.memory_space<vmem>>, vector<2000x128xf32>
    %mul3A = arith.mulf %add3A_8, %get3A_11 : vector<2000x128xf32>
    %get3A_12 = arith.constant 0 : index
    %get3A_13 = arith.constant 0 : index
    %get3A_14 = vector.load %arg5[%get3A_12, %get3A_13] : memref<1x128xf32, #tpu.memory_space<vmem>>, vector<1x128xf32>
    %add3A_15 = vector.broadcast %get3A_14 : vector<1x128xf32> to vector<2000x128xf32>
    %add3A_16 = arith.addf %mul3A, %add3A_15 : vector<2000x128xf32>
    %get3A_17 = arith.constant 0 : index
    %get3A_18 = arith.constant 0 : index
    %get3A_19 = vector.load %arg6[%get3A_17, %get3A_18] : memref<1x128xf32, #tpu.memory_space<vmem>>, vector<1x128xf32>
    %mul3A_20 = vector.broadcast %get3A_19 : vector<1x128xf32> to vector<2000x128xf32>
    %mul3A_21 = arith.mulf %add3A_16, %mul3A_20 : vector<2000x128xf32>
    %get3A_22 = arith.constant 0 : index
    %get3A_23 = arith.constant 0 : index
    %get3A_24 = vector.load %arg7[%get3A_22, %get3A_23] : memref<1x128xf32, #tpu.memory_space<vmem>>, vector<1x128xf32>
    %add3A_25 = vector.broadcast %get3A_24 : vector<1x128xf32> to vector<2000x128xf32>
    %add3A_26 = arith.addf %mul3A_21, %add3A_25 : vector<2000x128xf32>
    %max3A = arith.constant 0.000000e+00 : f32
    %max3A_27 = vector.broadcast %max3A : f32 to vector<2000x128xf32>
    %max3A_28 = arith.maximumf %add3A_26, %max3A_27 : vector<2000x128xf32>
    %get3A_29 = arith.constant 0 : index
    %get3A_30 = arith.constant 0 : index
    %get3A_31 = vector.load %arg8[%get3A_29, %get3A_30] : memref<2000x128xf32, #tpu.memory_space<vmem>>, vector<2000x128xf32>
    %add3A_32 = arith.addf %max3A_28, %get3A_31 : vector<2000x128xf32>
    %get3A_33 = arith.constant 0 : index
    %get3A_34 = arith.constant 0 : index
    %get3A_35 = vector.load %arg9[%get3A_33, %get3A_34] : memref<128x64xf32, #tpu.memory_space<vmem>>, vector<128x64xf32>
    %dot_general3A = arith.constant dense<0.000000e+00> : vector<2000x64xf32>
    %dot_general3A_36 = tpu.matmul %add3A_32, %get3A_35, %dot_general3A {dimension_numbers = #tpu.dot_dimension_numbers<[1], [0], [0], [1], [0, 0, 1, 1], [], []>, transpose_lhs_hint = false} : vector<2000x128xf32>, vector<128x64xf32>, vector<2000x64xf32> -> vector<2000x64xf32>
    %get3A_37 = arith.constant 0 : index
    %get3A_38 = arith.constant 0 : index
    %get3A_39 = vector.load %arg10[%get3A_37, %get3A_38] : memref<1x64xf32, #tpu.memory_space<vmem>>, vector<1x64xf32>
    %add3A_40 = vector.broadcast %get3A_39 : vector<1x64xf32> to vector<2000x64xf32>
    %add3A_41 = arith.addf %dot_general3A_36, %add3A_40 : vector<2000x64xf32>
    %max3A_42 = arith.constant 0.000000e+00 : f32
    %max3A_43 = vector.broadcast %max3A_42 : f32 to vector<2000x64xf32>
    %max3A_44 = arith.maximumf %add3A_41, %max3A_43 : vector<2000x64xf32>
    %get3A_45 = arith.constant 0 : index
    %get3A_46 = arith.constant 0 : index
    %get3A_47 = vector.load %arg11[%get3A_45, %get3A_46] : memref<64x72xf32, #tpu.memory_space<vmem>>, vector<64x72xf32>
    %dot_general3A_48 = arith.constant dense<0.000000e+00> : vector<2000x72xf32>
    %dot_general3A_49 = tpu.matmul %max3A_44, %get3A_47, %dot_general3A_48 {dimension_numbers = #tpu.dot_dimension_numbers<[1], [0], [0], [1], [0, 0, 1, 1], [], []>, transpose_lhs_hint = false} : vector<2000x64xf32>, vector<64x72xf32>, vector<2000x72xf32> -> vector<2000x72xf32>
    %get3A_50 = arith.constant 0 : index
    %get3A_51 = arith.constant 0 : index
    %get3A_52 = vector.load %arg12[%get3A_50, %get3A_51] : memref<1x72xf32, #tpu.memory_space<vmem>>, vector<1x72xf32>
    %add3A_53 = vector.broadcast %get3A_52 : vector<1x72xf32> to vector<2000x72xf32>
    %add3A_54 = arith.addf %dot_general3A_49, %add3A_53 : vector<2000x72xf32>
    %swap3A = arith.constant 0 : index
    %swap3A_55 = arith.constant 0 : index
    %swap3A_56 = vector.load %arg13[%swap3A, %swap3A_55] : memref<2000x72xf32, #tpu.memory_space<vmem>>, vector<2000x72xf32>
    tpu.vector_store %arg13[%swap3A, %swap3A_55], %add3A_54 {strides = array<i32>} : memref<2000x72xf32, #tpu.memory_space<vmem>>, vector<2000x72xf32>,
    return
  }
  func.func @transform_0(%arg0: i32) -> (i32, i32) {
    %c0_i32 = arith.constant 0 : i32
    %c0_i32_0 = arith.constant 0 : i32
    return %arg0, %c0_i32 : i32, i32
  }
  func.func @transform_1(%arg0: i32) -> (i32, i32) {
    %add3A = arith.constant 5 : i32
    %add3A_0 = arith.addi %arg0, %add3A : i32
    %c0_i32 = arith.constant 0 : i32
    %c0_i32_1 = arith.constant 0 : i32
    return %add3A_0, %c0_i32 : i32, i32
  }
  func.func @transform_2(%arg0: i32) -> (i32, i32) {
    %c0_i32 = arith.constant 0 : i32
    %c0_i32_0 = arith.constant 0 : i32
    return %arg0, %c0_i32 : i32, i32
  }
  func.func @transform_3(%arg0: i32) -> (i32, i32) {
    %c0_i32 = arith.constant 0 : i32
    %c0_i32_0 = arith.constant 0 : i32
    return %arg0, %c0_i32 : i32, i32
  }
  func.func @transform_4(%arg0: i32) -> (i32, i32) {
    %c0_i32 = arith.constant 0 : i32
    %c0_i32_0 = arith.constant 0 : i32
    %c0_i32_1 = arith.constant 0 : i32
    return %c0_i32, %c0_i32_0 : i32, i32
  }
  func.func @transform_5(%arg0: i32) -> (i32, i32) {
    %c0_i32 = arith.constant 0 : i32
    %c0_i32_0 = arith.constant 0 : i32
    %c0_i32_1 = arith.constant 0 : i32
    return %c0_i32, %c0_i32_0 : i32, i32
  }
  func.func @transform_6(%arg0: i32) -> (i32, i32) {
    %c0_i32 = arith.constant 0 : i32
    %c0_i32_0 = arith.constant 0 : i32
    %c0_i32_1 = arith.constant 0 : i32
    return %c0_i32, %c0_i32_0 : i32, i32
  }
  func.func @transform_7(%arg0: i32) -> (i32, i32) {
    %c0_i32 = arith.constant 0 : i32
    %c0_i32_0 = arith.constant 0 : i32
    return %arg0, %c0_i32 : i32, i32
  }
  func.func @transform_8(%arg0: i32) -> (i32, i32) {
    %c0_i32 = arith.constant 0 : i32
    %c0_i32_0 = arith.constant 0 : i32
    %c0_i32_1 = arith.constant 0 : i32
    return %c0_i32, %c0_i32_0 : i32, i32
  }
  func.func @transform_9(%arg0: i32) -> (i32, i32) {
    %c0_i32 = arith.constant 0 : i32
    %c0_i32_0 = arith.constant 0 : i32
    %c0_i32_1 = arith.constant 0 : i32
    return %c0_i32, %c0_i32_0 : i32, i32
  }
  func.func @transform_10(%arg0: i32) -> (i32, i32) {
    %c0_i32 = arith.constant 0 : i32
    %c0_i32_0 = arith.constant 0 : i32
    %c0_i32_1 = arith.constant 0 : i32
    return %c0_i32, %c0_i32_0 : i32, i32
  }
  func.func @transform_11(%arg0: i32) -> (i32, i32) {
    %c0_i32 = arith.constant 0 : i32
    %c0_i32_0 = arith.constant 0 : i32
    %c0_i32_1 = arith.constant 0 : i32
    return %c0_i32, %c0_i32_0 : i32, i32
  }
  func.func @transform_12(%arg0: i32) -> (i32, i32) {
    %c0_i32 = arith.constant 0 : i32
    %c0_i32_0 = arith.constant 0 : i32
    return %arg0, %c0_i32 : i32, i32
  }
}

</mosaic_0001>

<sc_bundles>
// kernel: kernel.10.cloned.1.call-start
scs
__scs_entry_jumppad:
0x0: {  	(pc) =	sbr.rel $0x88, $3  }
0x1: {  	(tag) =	ssettag $0x0;
	lr =	simm.s32 $0x1  }
0x2: {  	[smem:$0x3F8D] =	sst lr;
	_ =	strace $0xD0000000  }
0x3: {  	_ = 	snop  }
0x4: {  	_ = 	snop  }
0x5: {  	_ = 	snop  }
0x6: {  	_ = 	snop  }
0x7: {  	_ = 	snop  }
__scs_overlays_trampoline_lowered:
0x8: {  	[smem:$0x3F9C] =	sst s0  }
0x9: {  	[smem:$0x3F9D] =	sst s1  }
0xa: {  	[smem:$0x3F9E] =	sst s2  }
0xb: {  	[smem:$0x3F9F] =	sst s3  }
0xc: {  	[smem:$0x3FA0] =	sst s4  }
0xd: {  	[smem:$0x3FA1] =	sst s5  }
0xe: {  	[smem:$0x3FA2] =	sst s6  }
0xf: {  	[smem:$0x3FA3] =	sst s7  }
0x10: {  	[smem:$0x3FA4] =	sst s8  }
0x11: {  	[smem:$0x3FA5] =	sst s9;
	s0 =	simm.s32 @!p0 $0x0  }
0x12: {  	s1 =	sld [smem:$0x3F8B];
	s0 =	simm.s32 @p0 $0x1  }
0x13: {  	[smem:$0x3FA6] =	sst s0;
	s0 =	simm.s32 @!p1 $0x0  }
0x14: {  	s2 =	sld [smem:$0x3F8A];
	s0 =	simm.s32 @p1 $0x1  }
0x15: {  	[smem:$0x3FA7] =	sst s0;
	s0 =	simm.s32 @!p2 $0x0  }
0x16: {  	s3 =	sld [smem:$0x3FDB];
	s0 =	simm.s32 @p2 $0x1  }
0x17: {  	s4 =	simm.s32 $0x1BF5;
	[smem:$0x3FA9] =	sst s0  }
0x18: {  	s0 =	sld [smem:$0x3F8C];
	_ =	swait.ge [sflag:s4], $0x0  }
0x19: {  	s7 =	sld [smem:$0x3F8D]  }
0x1a: {  	s8 =	sadd.s32 $0xFFFFE003, lr  }
0x1b: {  	s9 =	sadd.s32 $0xFFFFFEF7, lr;
	s5 =	simm.s32 $0xFFFFFFFF;
	p2 =	slt.u32 s8, $0xFFFFF086  }
0x1c: {  	p1 =	slt.u32 s9, $0xF7A;
	s5 =	simm.s32 @!p2 $0x0  }
0x1d: {  	s5 =	simm.s32 @p1 $0x1;
	p0 =	seq.s32 s7, s2  }
0x1e: {  	s7 =	smul.u32 @!p0 $0xF7A, s2;
	p2 =	seq.s32 @!p0 s5, $0x0  }
0x1f: {  	s9 =	smul.u32 $0xF7A, s1;
	s8 =	simm.s32 @!p0 $0x1BF5;
	p2 =	por !p2, p0  }
0x20: {  	[sflag:s8] =	ssyncset.s32 @!p0 $0xFFFFF086;
	s6 =	sadd.s32 @!p0 s3, s7;
	s7 =	simm.s32 @!p0 $0x108  }
0x21: {  	s3 =	sadd.s32 s3, s9;
	s6 =	sadd.s32 @!p0 $0x88, s6;
	s7 =	simm.s32 @p2 $0x1082  }
0x22: {  	[simem:s7], [sflag:s8] =	dma.local @!p0 [hbm:s6], $0xF7A  }
0x23: {  	s9 =	sor.u32 $0xD0000000, s2;
	s6 =	simm.s32 $0x108;
	_ =	swait.ge @!p0 [sflag:s8], $0x0  }
0x24: {  	s3 =	sadd.s32 $0x88, s3;
	s6 =	simm.s32 @!p1 $0x1082;
	[sflag:s4] =	ssyncset.s32 $0xFFFFF086  }
0x25: {  	[simem:s6], [sflag:s4] =	dma.local [hbm:s3], $0xF7A  }
0x26: {  	[smem:$0x3F8D] =	sst s1;
	(tag) =	ssettag s2;
	_ =	strace s9  }
0x27: {  	s1 =	sld [smem:$0x3F9D]  }
0x28: {  	s2 =	sld [smem:$0x3F9E]  }
0x29: {  	s4 =	sld [smem:$0x3FA0]  }
0x2a: {  	p0 =	seq.s32 s5, $0x0;
	s5 =	sld [smem:$0x3FA1]  }
0x2b: {  	s6 =	sld [smem:$0x3FA2]  }
0x2c: {  	s7 =	sld [smem:$0x3FA3]  }
0x2d: {  	s3 =	simm.s32 $0x108;
	s8 =	sld [smem:$0x3FA4]  }
0x2e: {  	s3 =	simm.s32 @!p0 $0x1082;
	s9 =	sld [smem:$0x3FA5]  }
0x2f: {  	lr =	sadd.s32 s0, s3;
	s0 =	sld [smem:$0x3F9C]  }
0x30: {  	s3 =	sld [smem:$0x3F9F]  }
0x31: {  	[smem:$0x3FA8] =	sst s10  }
0x32: {  	s10 =	sld [smem:$0x3FA6];
	_ =	sdelay $0x3  }
0x33: {  	p0 =	seq.s32 s10, $0x1;
	s10 =	sld [smem:$0x3FA8];
	_ =	sdelay $0x3  }
0x34: {  	[smem:$0x3FA8] =	sst s10  }
0x35: {  	s10 =	sld [smem:$0x3FA7];
	_ =	sdelay $0x3  }
0x36: {  	p1 =	seq.s32 s10, $0x1;
	s10 =	sld [smem:$0x3FA8];
	_ =	sdelay $0x3  }
0x37: {  	[smem:$0x3FA8] =	sst s10  }
0x38: {  	s10 =	sld [smem:$0x3FA9]  }
0x39: {  	_ = 	snop;
	(pc) =	sbr.ind lr, $3  }
0x3a: {  	_ = 	snop  }
0x3b: {  	_ = 	snop  }
0x3c: {  	p2 =	seq.s32 s10, $0x1;
	s10 =	sld [smem:$0x3FA8]  }
0x3d: {  	_ =	shalt  }
0x3e: {  	_ =	shalt  }
0x3f: {  	_ =	shalt  }
0x40: {  	_ =	shalt  }
0x41: {  	_ =	shalt  }
0x42: {  	_ =	shalt  }
0x43: {  	_ =	shalt  }
0x44: {  	_ =	shalt  }
0x45: {  	_ =	shalt  }
0x46: {  	_ =	shalt  }
0x47: {  	_ =	shalt  }
0x48: {  	_ =	shalt  }
0x49: {  	_ =	shalt  }
0x4a: {  	_ =	shalt  }
0x4b: {  	_ =	shalt  }
0x4c: {  	_ =	shalt  }
0x4d: {  	_ =	shalt  }
0x4e: {  	_ =	shalt  }
0x4f: {  	_ =	shalt  }
0x50: {  	_ =	shalt  }
0x51: {  	_ =	shalt  }
0x52: {  	_ =	shalt  }
0x53: {  	_ =	shalt  }
0x54: {  	_ =	shalt  }
0x55: {  	_ =	shalt  }
0x56: {  	_ =	shalt  }
0x57: {  	_ =	shalt  }
0x58: {  	_ =	shalt  }
0x59: {  	_ =	shalt  }
0x5a: {  	_ =	shalt  }
0x5b: {  	_ =	shalt  }
0x5c: {  	_ =	shalt  }
0x5d: {  	_ =	shalt  }
0x5e: {  	_ =	shalt  }
0x5f: {  	_ =	shalt  }
0x60: {  	_ =	shalt  }
0x61: {  	_ =	shalt  }
0x62: {  	_ =	shalt  }
0x63: {  	_ =	shalt  }
0x64: {  	_ =	shalt  }
0x65: {  	_ =	shalt  }
0x66: {  	_ =	shalt  }
0x67: {  	_ =	shalt  }
0x68: {  	_ =	shalt  }
0x69: {  	_ =	shalt  }
0x6a: {  	_ =	shalt  }
0x6b: {  	_ =	shalt  }
0x6c: {  	_ =	shalt  }
0x6d: {  	_ =	shalt  }
0x6e: {  	_ =	shalt  }
0x6f: {  	_ =	shalt  }
0x70: {  	_ =	shalt  }
0x71: {  	_ =	shalt  }
0x72: {  	_ =	shalt  }
0x73: {  	_ =	shalt  }
0x74: {  	_ =	shalt  }
0x75: {  	_ =	shalt  }
0x76: {  	_ =	shalt  }
0x77: {  	_ =	shalt  }
0x78: {  	_ =	shalt  }
0x79: {  	_ =	shalt  }
0x7a: {  	_ =	shalt  }
0x7b: {  	_ =	shalt  }
0x7c: {  	_ =	shalt  }
0x7d: {  	_ =	shalt  }
0x7e: {  	_ =	shalt  }
0x7f: {  	_ =	shalt  }
0x80: {  	_ =	shalt  }
0x81: {  	_ =	shalt  }
0x82: {  	_ =	shalt  }
0x83: {  	_ =	shalt  }
0x84: {  	_ =	shalt  }
0x85: {  	_ =	shalt  }
0x86: {  	_ =	shalt  }
0x87: {  	_ =	shalt  }
.Lfunc_end0:
.L_simem_size_0:
called_computation_lowered:
.L_overlay_start_0:
0x88: {  	s2 =	sld [smem:$0x3FD9]  }
0x89: {  	s3 =	sld [smem:$0x3FFE];
	_ =	sdelay $0x1  }
0x8a: {  	s1 =	srdreg.scid  }
0x8b: {  	s0 =	sand.u32 $0x1, s1  }
0x8c: {  	s16 =	sshll.u32 s0, $0xA;
	s2 =	sadd.s32 s3, s2  }
0x8d: {  	s2 =	sadd.s32 s2, s16  }
0x8e: {  	[smem:$0x3FB4] =	sst s2  }
0x8f: {  	_ = 	snop  }
0x90: {  	(tm) =	ssettm $0x1  }
0x91: {  	s17 =	sld [smem:$0x3FFB];
	_ =	sdelay $0x3  }
0x92: {  	_ =	strace s17  }
0x93: {  	s2 =	sld [smem:$0x3FFC];
	_ =	sdelay $0x3  }
0x94: {  	_ =	strace s2  }
0x95: {  	s2 =	sld [smem:$0x3FFD];
	_ =	sdelay $0x3  }
0x96: {  	_ =	strace s2  }
0x97: {  	_ =	strace $0x8FFFFFFF  }
0x98: {  	s18 =	sld [smem:$0x3FDB];
	_ =	sdelay $0x1  }
0x99: {  	s19 =	simm.s32 $_scs_section_size  }
0x9a: {  	s4 =	simm.s32 $_size__tile_overlayer_lowered;
	s5 =	simm.s32 $_tile_overlayer_lowered  }
0x9b: {  	s22 =	simm.s32 $0x1BFF;
	s21 =	sshll.u32 s5, $0x1;
	s2 =	sadd.s32 s19, s18  }
0x9c: {  	s6 =	simm.s32 $0x0;
	s20 =	sshll.u32 s4, $0x1;
	s4 =	sadd.s32 s21, s2  }
0x9d: {  	[timem:s6], [sflag:s22] =	dma.local [hbm:s4], s20  }
0x9e: {  	_ =	swait.ge [sflag:s22], s20  }
0x9f: {  	s3 =	ssub.s32 $0x0, s20;
	[sflag:s22] =	ssyncset.done $0x0  }
0xa0: {  	[sflag:s22] =	ssyncadd.s32 s3;
	_ =	sdelay $0x1  }
0xa1: {  	s23 =	simm.s32 $0x1B8B  }
0xa2: {  	_ =	swait.ge [sflag:s23], $0x1  }
0xa3: {  	[sflag:s23] =	ssyncset.done $0x0  }
0xa4: {  	s25 =	simm.s32 $0x1B8E;
	s24 =	sld [smem:$0x3FFE];
	[sflag:s23] =	ssyncadd.s32 $0xFFFFFFFF  }
0xa5: {  	s26 =	simm.s32 $execute0_lowered;
	[smem:$0x3FD2] =	sst s25  }
0xa6: {  	s4 =	sshll.u32 s26, $0x1;
	_ =	strace $0x80000046;
	[dreg:$0x1] =	wrdreg $0xFFFFFFFF  }
0xa7: {  	s28 =	simm.s32 $_size_execute0_lowered;
	s2 =	sadd.s32 s2, s4;
	[dreg:$0x0] =	wrdreg $0x0  }
0xa8: {  	s4 =	sshll.u32 s28, $0x1;
	[dreg:$0x2] =	wrdreg s2  }
0xa9: {  	[dreg:$0x3] =	wrdreg s4  }
0xaa: {  	[dreg:$0x4] =	wrdreg $0xC0  }
0xab: {  	_ =	task [dreg:s6], $0x5FFFF  }
0xac: {  	[dreg:$0x1] =	wrdreg $0xFFFFFFFF  }
0xad: {  	[dreg:$0x0] =	wrdreg $0x60  }
0xae: {  	[dreg:$0x2] =	wrdreg s24  }
0xaf: {  	[dreg:$0x3] =	wrdreg $0x9  }
0xb0: {  	_ =	task.clear_ibuf [dreg:s6], $0x4FFFF;
	_ =	strace $0x90000046  }
0xb1: {  	s29 =	simm.s32 $0x9;
	_ =	strace $0x80000048  }
0xb2: {  	_ =	swait.ge [sflag:s29], $0x1  }
0xb3: {  	[sflag:s29] =	ssyncadd.s32 $0xFFFFFFFF  }
0xb4: {  	_ =	strace $0x90000048  }
0xb5: {  	_ =	sfence  }
0xb6: {  	s30 =	sld [smem:$0x0];
	_ =	sdelay $0x2  }
0xb7: {  	s31 =	sshll.u32 s1, $0xD;
	s1 =	sshrl.u32 s1, $0x2  }
0xb8: {  	s3 =	sand.u32 $0x4000, s31;
	s1 =	sadd.s32 s1, s30  }
0xb9: {  	s0 =	sor.u32 s3, s0;
	s1 =	sshll.u32 s1, $0x11  }
0xba: {  	s0 =	sor.u32 s1, s0  }
0xbb: {  	s0 =	sadd.s32 $0x8F2B, s0  }
0xbc: {  	[sflag:s0] =	ssyncadd.remote.s32 $0x1  }
0xbd: {  	_ =	sfence.sel $0xFFFF  }
0xbe: {  	[dreg:$0x0] =	wrdreg $0xFFFFFFFF;
	(pc) =	sbr.abs _section_cstart, $3  }
0xbf: {  	[dreg:$0x1] =	wrdreg $0xFFFFFFFF  }
0xc0: {  	_ =	task.clear_ibuf [dreg:s6], $0x2FFFF;
	_ =	strace $0x9FFFFFFF  }
0xc1: {  	(tm) =	ssettm $0x7FFFFFFF  }
tec
execute0_lowered:
.L_overlay_start_1:
0x0: {  	(tag) =	ssettag $0x1  }
0x1: {  	s0 =	srdreg.scid  }
0x2: {  	s4 =	rddreg [dreg:$0x0];
	s3 =	sand.u32 $0x1, s0  }
0x3: {  	s1 =	stileid.u32;
	s7 =	simm.s32 $0x2780;
	s2 =	sshll.u32 s3, $0x4  }
0x4: {  	s0 =	rddreg [dreg:$0x1];
	s3 =	ssub.s32 $0x2, s3;
	s5 =	sor.u32 s1, s2  }
0x5: {  	s2 =	simm.s32 $0x0;
	s6 =	sshrl.u32 s3, $0x1;
	s5 =	smul.u32 $0x4E2, s5  }
0x6: {  	s8 =	simm.s32 $0x0;
	[smem:$0x7FF] =	sst s2;
	s31 =	ssub.s32 s3, s6  }
0x7: {  	s6 =	simm.s32 $0x1;
	_ =	strace $0x80000047;
	s4 =	sadd.s32 s5, s4  }
0x8: {  	v0 =	vimm.f32 $0.0e+00;
	v1 =	vimm.f32 $1.000000000e+00;
	s5 =	smax.u32 s31, $0x1;
	s3 =	sadd.s32 $0x5C00, s4;
	s4 =	sadd.s32 $0xFA00, s4  }
.LBB2_1:
0x9: {  	[tilespmem:s2], [sflag:$0x1] =	stream.linear.gather [hbm4b:s3+s2], $0x2710, $0x38;
	[tilespmem:$0x4F00] =	vst v63  }
0xa: {  	_ =	swait.ge [sflag:s6], $0x2710  }
0xb: {  	[sflag:s6] =	ssyncset.done $0x0  }
0xc: {  	s9 =	simm.s32 $0x0;
	[sflag:s6] =	ssyncadd.s32 $0xFFFFD8F0  }
.LBB2_2:
0xd: {  	p0 =	sne.s32 s9, $0x9C00  }
.Ltmp0:
0xe: {  	_ = 	snop;
	(pc) =	sbr.rel @p0 .LBB2_2-.Ltmp0, $3  }
0xf: {  	_ =	sdelay $0x1  }
0x10: {  	s10 =	sshra.s32 s9, $0x2  }
0x11: {  	s9 =	sadd.s32 $0x40, s9;
	[tilespmem:s10+$0x2780] =	vst v0  }
0x12: {  	s10 =	simm.s32 $0x0;
	s9 =	simm.s32 $0x40  }
.LBB2_4:
0x13: {  	p0 =	sne.s32 s9, $0x9C00;
	v2 =	vld [tilespmem:s10+$0x0];
	_ =	sdelay $0x3  }
.Ltmp1:
0x14: {  	(pc) =	sbr.rel @p0 .LBB2_4-.Ltmp1, $2  }
0x15: {  	_ =	sdelay $0x2  }
0x16: {  	s10 =	sshra.s32 s9, $0x2;
	s9 =	sadd.s32 $0x40, s9;
	[tilespmem:v2+s7+$0x0] =	vst.idx.add.f32.msk $0xffff, v1  }
0x17: {  	v2 =	vld [tilespmem:s10+$0x0];
	_ =	sdelay $0x5  }
0x18: {  	s8 =	sadd.s32 $0x1, s8  }
0x19: {  	p0 =	sne.s32 s8, s5  }
.Ltmp2:
0x1a: {  	[tilespmem:v2+s7+$0x0] =	vst.idx.add.f32.msk $0xffff, v1;
	(pc) =	sbr.rel @p0 .LBB2_1-.Ltmp2, $4  }
0x1b: {  	[hbm4b:s4+s2] =	stream.linear.scatter [tilespmem:s7], [sflag:$0x1], $0x2710, $0x38;
	[tilespmem:$0x4F00] =	vst v63  }
0x1c: {  	_ =	swait.ge [sflag:s6], $0x2710  }
0x1d: {  	[sflag:s6] =	ssyncset.done $0x0  }
0x1e: {  	[sflag:s6] =	ssyncadd.s32 $0xFFFFD8F0  }
0x1f: {  	_ =	sfence.sel $0x180000  }
0x20: {  	[bflag:$0x0] =	sbarrier.arrive $0xFFFF  }
0x21: {  	p0 =	sne.s32 s1, $0x0;
	_ =	strace $0x90000047  }
0x22: {  	s0 =	sadd.s32 @!p0 $0x100000, s0;
	[bflag:$0x2] =	sbarrier.arrive $0xFFFF  }
0x23: {  	[sflag:s0] =	ssyncadd.tile.s32 @!p0 $0x1;
	_ =	shalt  }
.Lfunc_end2:
_tile_overlayer_lowered:
.L_overlay_start_2:
0x24: {  	(tag) =	ssettag $0x2  }
0x25: {  	s0 =	rddreg [dreg:$0x0];
	s2 =	stileid.u32  }
0x26: {  	s1 =	rddreg [dreg:$0x1];
	p0 =	sne.s32 s2, $0x0  }
0x27: {  	s3 =	rddreg [dreg:$0x2];
	[bflag:$0x3] =	sbarrier.arrive $0xFFFF;
	s2 =	simm.s32 @!p0 $0x1C01  }
0x28: {  	[timem:s3], [sflag:s2] =	dma.local @!p0 [hbm:s0], s1  }
0x29: {  	s0 =	simm.s32 @!p0 $0x1  }
0x2a: {  	_ =	swait.ge @!p0 [sflag:s0], s1  }
0x2b: {  	s1 =	ssub.s32 @!p0 $0x0, s1;
	[sflag:s0] =	ssyncset.done @!p0 $0x0  }
0x2c: {  	[sflag:s0] =	ssyncadd.s32 @!p0 s1  }
0x2d: {  	[bflag:$0x3] =	sbarrier.arrive $0xFFFF  }
0x2e: {  	_ =	shalt  }

// kernel: kernel.13.cloned.1.call-start
scs
__scs_entry_jumppad:
0x0: {  	(pc) =	sbr.rel $0x88, $3  }
0x1: {  	(tag) =	ssettag $0x0;
	lr =	simm.s32 $0x1  }
0x2: {  	[smem:$0x3F8D] =	sst lr;
	_ =	strace $0xD0000000  }
0x3: {  	_ = 	snop  }
0x4: {  	_ = 	snop  }
0x5: {  	_ = 	snop  }
0x6: {  	_ = 	snop  }
0x7: {  	_ = 	snop  }
__scs_overlays_trampoline_lowered:
0x8: {  	[smem:$0x3F9C] =	sst s0  }
0x9: {  	[smem:$0x3F9D] =	sst s1  }
0xa: {  	[smem:$0x3F9E] =	sst s2  }
0xb: {  	[smem:$0x3F9F] =	sst s3  }
0xc: {  	[smem:$0x3FA0] =	sst s4  }
0xd: {  	[smem:$0x3FA1] =	sst s5  }
0xe: {  	[smem:$0x3FA2] =	sst s6  }
0xf: {  	[smem:$0x3FA3] =	sst s7  }
0x10: {  	[smem:$0x3FA4] =	sst s8  }
0x11: {  	[smem:$0x3FA5] =	sst s9;
	s0 =	simm.s32 @!p0 $0x0  }
0x12: {  	s1 =	sld [smem:$0x3F8B];
	s0 =	simm.s32 @p0 $0x1  }
0x13: {  	[smem:$0x3FA6] =	sst s0;
	s0 =	simm.s32 @!p1 $0x0  }
0x14: {  	s2 =	sld [smem:$0x3F8A];
	s0 =	simm.s32 @p1 $0x1  }
0x15: {  	[smem:$0x3FA7] =	sst s0;
	s0 =	simm.s32 @!p2 $0x0  }
0x16: {  	s3 =	sld [smem:$0x3FDB];
	s0 =	simm.s32 @p2 $0x1  }
0x17: {  	s4 =	simm.s32 $0x1BF5;
	[smem:$0x3FA9] =	sst s0  }
0x18: {  	s0 =	sld [smem:$0x3F8C];
	_ =	swait.ge [sflag:s4], $0x0  }
0x19: {  	s7 =	sld [smem:$0x3F8D]  }
0x1a: {  	s8 =	sadd.s32 $0xFFFFE003, lr  }
0x1b: {  	s9 =	sadd.s32 $0xFFFFFEF7, lr;
	s5 =	simm.s32 $0xFFFFFFFF;
	p2 =	slt.u32 s8, $0xFFFFF086  }
0x1c: {  	p1 =	slt.u32 s9, $0xF7A;
	s5 =	simm.s32 @!p2 $0x0  }
0x1d: {  	s5 =	simm.s32 @p1 $0x1;
	p0 =	seq.s32 s7, s2  }
0x1e: {  	s7 =	smul.u32 @!p0 $0xF7A, s2;
	p2 =	seq.s32 @!p0 s5, $0x0  }
0x1f: {  	s9 =	smul.u32 $0xF7A, s1;
	s8 =	simm.s32 @!p0 $0x1BF5;
	p2 =	por !p2, p0  }
0x20: {  	[sflag:s8] =	ssyncset.s32 @!p0 $0xFFFFF086;
	s6 =	sadd.s32 @!p0 s3, s7;
	s7 =	simm.s32 @!p0 $0x108  }
0x21: {  	s3 =	sadd.s32 s3, s9;
	s6 =	sadd.s32 @!p0 $0x88, s6;
	s7 =	simm.s32 @p2 $0x1082  }
0x22: {  	[simem:s7], [sflag:s8] =	dma.local @!p0 [hbm:s6], $0xF7A  }
0x23: {  	s9 =	sor.u32 $0xD0000000, s2;
	s6 =	simm.s32 $0x108;
	_ =	swait.ge @!p0 [sflag:s8], $0x0  }
0x24: {  	s3 =	sadd.s32 $0x88, s3;
	s6 =	simm.s32 @!p1 $0x1082;
	[sflag:s4] =	ssyncset.s32 $0xFFFFF086  }
0x25: {  	[simem:s6], [sflag:s4] =	dma.local [hbm:s3], $0xF7A  }
0x26: {  	[smem:$0x3F8D] =	sst s1;
	(tag) =	ssettag s2;
	_ =	strace s9  }
0x27: {  	s1 =	sld [smem:$0x3F9D]  }
0x28: {  	s2 =	sld [smem:$0x3F9E]  }
0x29: {  	s4 =	sld [smem:$0x3FA0]  }
0x2a: {  	p0 =	seq.s32 s5, $0x0;
	s5 =	sld [smem:$0x3FA1]  }
0x2b: {  	s6 =	sld [smem:$0x3FA2]  }
0x2c: {  	s7 =	sld [smem:$0x3FA3]  }
0x2d: {  	s3 =	simm.s32 $0x108;
	s8 =	sld [smem:$0x3FA4]  }
0x2e: {  	s3 =	simm.s32 @!p0 $0x1082;
	s9 =	sld [smem:$0x3FA5]  }
0x2f: {  	lr =	sadd.s32 s0, s3;
	s0 =	sld [smem:$0x3F9C]  }
0x30: {  	s3 =	sld [smem:$0x3F9F]  }
0x31: {  	[smem:$0x3FA8] =	sst s10  }
0x32: {  	s10 =	sld [smem:$0x3FA6];
	_ =	sdelay $0x3  }
0x33: {  	p0 =	seq.s32 s10, $0x1;
	s10 =	sld [smem:$0x3FA8];
	_ =	sdelay $0x3  }
0x34: {  	[smem:$0x3FA8] =	sst s10  }
0x35: {  	s10 =	sld [smem:$0x3FA7];
	_ =	sdelay $0x3  }
0x36: {  	p1 =	seq.s32 s10, $0x1;
	s10 =	sld [smem:$0x3FA8];
	_ =	sdelay $0x3  }
0x37: {  	[smem:$0x3FA8] =	sst s10  }
0x38: {  	s10 =	sld [smem:$0x3FA9]  }
0x39: {  	_ = 	snop;
	(pc) =	sbr.ind lr, $3  }
0x3a: {  	_ = 	snop  }
0x3b: {  	_ = 	snop  }
0x3c: {  	p2 =	seq.s32 s10, $0x1;
	s10 =	sld [smem:$0x3FA8]  }
0x3d: {  	_ =	shalt  }
0x3e: {  	_ =	shalt  }
0x3f: {  	_ =	shalt  }
0x40: {  	_ =	shalt  }
0x41: {  	_ =	shalt  }
0x42: {  	_ =	shalt  }
0x43: {  	_ =	shalt  }
0x44: {  	_ =	shalt  }
0x45: {  	_ =	shalt  }
0x46: {  	_ =	shalt  }
0x47: {  	_ =	shalt  }
0x48: {  	_ =	shalt  }
0x49: {  	_ =	shalt  }
0x4a: {  	_ =	shalt  }
0x4b: {  	_ =	shalt  }
0x4c: {  	_ =	shalt  }
0x4d: {  	_ =	shalt  }
0x4e: {  	_ =	shalt  }
0x4f: {  	_ =	shalt  }
0x50: {  	_ =	shalt  }
0x51: {  	_ =	shalt  }
0x52: {  	_ =	shalt  }
0x53: {  	_ =	shalt  }
0x54: {  	_ =	shalt  }
0x55: {  	_ =	shalt  }
0x56: {  	_ =	shalt  }
0x57: {  	_ =	shalt  }
0x58: {  	_ =	shalt  }
0x59: {  	_ =	shalt  }
0x5a: {  	_ =	shalt  }
0x5b: {  	_ =	shalt  }
0x5c: {  	_ =	shalt  }
0x5d: {  	_ =	shalt  }
0x5e: {  	_ =	shalt  }
0x5f: {  	_ =	shalt  }
0x60: {  	_ =	shalt  }
0x61: {  	_ =	shalt  }
0x62: {  	_ =	shalt  }
0x63: {  	_ =	shalt  }
0x64: {  	_ =	shalt  }
0x65: {  	_ =	shalt  }
0x66: {  	_ =	shalt  }
0x67: {  	_ =	shalt  }
0x68: {  	_ =	shalt  }
0x69: {  	_ =	shalt  }
0x6a: {  	_ =	shalt  }
0x6b: {  	_ =	shalt  }
0x6c: {  	_ =	shalt  }
0x6d: {  	_ =	shalt  }
0x6e: {  	_ =	shalt  }
0x6f: {  	_ =	shalt  }
0x70: {  	_ =	shalt  }
0x71: {  	_ =	shalt  }
0x72: {  	_ =	shalt  }
0x73: {  	_ =	shalt  }
0x74: {  	_ =	shalt  }
0x75: {  	_ =	shalt  }
0x76: {  	_ =	shalt  }
0x77: {  	_ =	shalt  }
0x78: {  	_ =	shalt  }
0x79: {  	_ =	shalt  }
0x7a: {  	_ =	shalt  }
0x7b: {  	_ =	shalt  }
0x7c: {  	_ =	shalt  }
0x7d: {  	_ =	shalt  }
0x7e: {  	_ =	shalt  }
0x7f: {  	_ =	shalt  }
0x80: {  	_ =	shalt  }
0x81: {  	_ =	shalt  }
0x82: {  	_ =	shalt  }
0x83: {  	_ =	shalt  }
0x84: {  	_ =	shalt  }
0x85: {  	_ =	shalt  }
0x86: {  	_ =	shalt  }
0x87: {  	_ =	shalt  }
.Lfunc_end0:
.L_simem_size_0:
called_computation.1_lowered:
.L_overlay_start_0:
0x88: {  	s2 =	sld [smem:$0x3FD9]  }
0x89: {  	s3 =	sld [smem:$0x3FFE];
	_ =	sdelay $0x1  }
0x8a: {  	s1 =	srdreg.scid  }
0x8b: {  	s0 =	sand.u32 $0x1, s1  }
0x8c: {  	s17 =	sshll.u32 s0, $0xA;
	s2 =	sadd.s32 s3, s2  }
0x8d: {  	s2 =	sadd.s32 s2, s17  }
0x8e: {  	[smem:$0x3FB4] =	sst s2  }
0x8f: {  	_ = 	snop  }
0x90: {  	s2 =	sld [smem:$0x3FD0];
	(tm) =	ssettm $0x1  }
0x91: {  	s18 =	sld [smem:$0x3FFB];
	_ =	sdelay $0x3  }
0x92: {  	_ =	strace s18  }
0x93: {  	s3 =	sld [smem:$0x3FFC];
	_ =	sdelay $0x3  }
0x94: {  	_ =	strace s3  }
0x95: {  	s3 =	sld [smem:$0x3FFD];
	_ =	sdelay $0x3  }
0x96: {  	_ =	strace s3  }
0x97: {  	_ =	strace $0x8FFFFFFF  }
0x98: {  	s19 =	sld [smem:$0x3FDB];
	_ =	sdelay $0x1  }
0x99: {  	s4 =	simm.s32 $_scs_section_size  }
0x9a: {  	s5 =	simm.s32 $_size__tile_overlayer_lowered;
	s6 =	simm.s32 $_tile_overlayer_lowered  }
0x9b: {  	s22 =	simm.s32 $0x1BFF;
	s21 =	sshll.u32 s6, $0x1;
	s3 =	sadd.s32 s4, s19  }
0x9c: {  	s7 =	simm.s32 $0x0;
	s20 =	sshll.u32 s5, $0x1;
	s5 =	sadd.s32 s21, s3  }
0x9d: {  	[timem:s7], [sflag:s22] =	dma.local [hbm:s5], s20  }
0x9e: {  	_ =	swait.ge [sflag:s22], s20  }
0x9f: {  	s4 =	ssub.s32 $0x0, s20;
	[sflag:s22] =	ssyncset.done $0x0  }
0xa0: {  	[sflag:s22] =	ssyncadd.s32 s4;
	_ =	sdelay $0x1  }
0xa1: {  	s23 =	simm.s32 $0x1B8B  }
0xa2: {  	_ =	swait.ge [sflag:s23], $0x1  }
0xa3: {  	[sflag:s23] =	ssyncset.done $0x0  }
0xa4: {  	s25 =	simm.s32 $0x1B8E;
	s24 =	sld [smem:$0x3FFE];
	[sflag:s23] =	ssyncadd.s32 $0xFFFFFFFF  }
0xa5: {  	s26 =	simm.s32 $execute0_lowered;
	[smem:$0x3FD2] =	sst s25  }
0xa6: {  	s5 =	sshll.u32 s26, $0x1;
	_ =	strace $0x80000049;
	[dreg:$0x1] =	wrdreg $0xFFFFFFFF  }
0xa7: {  	s28 =	simm.s32 $_size_execute0_lowered;
	s3 =	sadd.s32 s3, s5;
	[dreg:$0x0] =	wrdreg $0x0  }
0xa8: {  	s5 =	sshll.u32 s28, $0x1;
	[dreg:$0x2] =	wrdreg s3  }
0xa9: {  	[dreg:$0x3] =	wrdreg s5  }
0xaa: {  	[dreg:$0x4] =	wrdreg $0xC0  }
0xab: {  	_ =	task [dreg:s7], $0x5FFFF  }
0xac: {  	[dreg:$0x1] =	wrdreg $0xFFFFFFFF  }
0xad: {  	[dreg:$0x0] =	wrdreg $0x60  }
0xae: {  	[dreg:$0x2] =	wrdreg s2  }
0xaf: {  	[dreg:$0x3] =	wrdreg s24  }
0xb0: {  	[dreg:$0x4] =	wrdreg $0xA9000  }
0xb1: {  	[dreg:$0x5] =	wrdreg $0x9  }
0xb2: {  	_ =	task.clear_ibuf [dreg:s7], $0x6FFFF;
	_ =	strace $0x90000049  }
0xb3: {  	s29 =	simm.s32 $0x9;
	_ =	strace $0x8000004B  }
0xb4: {  	_ =	swait.ge [sflag:s29], $0x1  }
0xb5: {  	[sflag:s29] =	ssyncadd.s32 $0xFFFFFFFF  }
0xb6: {  	_ =	strace $0x9000004B  }
0xb7: {  	_ =	sfence  }
0xb8: {  	s30 =	sld [smem:$0x0];
	_ =	sdelay $0x2  }
0xb9: {  	s31 =	sshll.u32 s1, $0xD;
	s1 =	sshrl.u32 s1, $0x2  }
0xba: {  	s3 =	sand.u32 $0x4000, s31;
	s1 =	sadd.s32 s1, s30  }
0xbb: {  	s0 =	sor.u32 s3, s0;
	s1 =	sshll.u32 s1, $0x11  }
0xbc: {  	s0 =	sor.u32 s1, s0  }
0xbd: {  	s0 =	sadd.s32 $0x8F2B, s0  }
0xbe: {  	[sflag:s0] =	ssyncadd.remote.s32 $0x1  }
0xbf: {  	_ =	sfence.sel $0xFFFF  }
0xc0: {  	[dreg:$0x0] =	wrdreg $0xFFFFFFFF;
	(pc) =	sbr.abs _section_cstart, $3  }
0xc1: {  	[dreg:$0x1] =	wrdreg $0xFFFFFFFF  }
0xc2: {  	_ =	task.clear_ibuf [dreg:s7], $0x2FFFF;
	_ =	strace $0x9FFFFFFF  }
0xc3: {  	(tm) =	ssettm $0x7FFFFFFF  }
tec
execute0_lowered:
.L_overlay_start_1:
0x0: {  	(tag) =	ssettag $0x1  }
0x1: {  	s8 =	rddreg [dreg:$0x0]  }
0x2: {  	s7 =	rddreg [dreg:$0x1]  }
0x3: {  	s0 =	srdreg.scid;
	s2 =	rddreg [dreg:$0x2]  }
0x4: {  	s3 =	simm.s32 $0x0;
	s19 =	simm.s32 $0x6800;
	s20 =	simm.s32 $0xA880  }
0x5: {  	s21 =	simm.s32 $0x1;
	s22 =	simm.s32 $0x3;
	s23 =	simm.s32 $0x2  }
0x6: {  	s24 =	simm.s32 $0x4;
	s25 =	simm.s32 $0x0;
	s6 =	sand.u32 $0x1, s0  }
0x7: {  	s0 =	stileid.u32;
	[smem:$0x7FF] =	sst s3;
	s4 =	sadd.s32 $0x19800, s7  }
0x8: {  	s5 =	sadd.s32 $0x23800, s7;
	s1 =	sshll.u32 s6, $0x4;
	s12 =	smul.u32 $0x4E200, s0  }
0x9: {  	s13 =	ssub.s32 $0x2, s6;
	s14 =	smul.u32 $0x500, s6;
	s6 =	sadd.s32 $0x5C00, s7  }
0xa: {  	s16 =	smul.u32 $0x50, s0;
	s17 =	sshll.u32 s0, $0x6;
	s9 =	sor.u32 s0, s1  }
0xb: {  	s1 =	rddreg [dreg:$0x3];
	_ =	strace $0x8000004A;
	s10 =	smul.u32 $0x2780, s9  }
0xc: {  	s15 =	sshrl.u32 s13, $0x1;
	s17 =	sor.u32 $0x1C05, s17;
	s11 =	smul.u32 $0x500, s9  }
0xd: {  	s13 =	ssub.s32 s13, s15;
	s12 =	sshrl.u32 s12, $0x2;
	s14 =	sadd.s32 s16, s14  }
0xe: {  	s15 =	simm.s32 $0x2800;
	s16 =	simm.s32 $0xA800;
	s18 =	sadd.s32 s12, s2  }
0xf: {  	s31 =	sshll.u32 s14, $0x4;
	s14 =	simm.s32 $0x7D;
	s10 =	sadd.s32 s10, s7  }
0x10: {  	s7 =	smul.u32 $0x50, s9;
	s8 =	sadd.s32 s8, s11;
	s9 =	sadd.s32 s4, s11  }
0x11: {  	s11 =	smax.u32 s13, $0x1;
	s12 =	sadd.s32 s31, s4;
	s13 =	simm.s32 $0x5  }
0x12: {  	s18 =	sshrl.u32 s18, $0x3;
	s10 =	sadd.s32 $0x4AA00, s10;
	s12 =	sadd.s32 $0x10, s12  }
.LBB2_1:
0x13: {  	[tilespmem:s3], [sflag:$0x5] =	stream.linear.gather [hbm4b:s8+s3], $0x2800, $0x38;
	[tilespmem:$0x1E180] =	vst v63  }
0x14: {  	_ =	swait.ge [sflag:s13], $0x2800  }
0x15: {  	[sflag:s13] =	ssyncset.done $0x0  }
0x16: {  	[sflag:s13] =	ssyncadd.s32 $0xFFFFD800  }
0x17: {  	[tilespmem:s15], [sflag:$0x1] =	stream.indirect.gather [hbm4b:s5+s14], $0x80, s3, s14, $0xb8;
	[tilespmem:$0x1E180] =	vst v63  }
0x18: {  	_ = 	snop  }
0x19: {  	[tilespmem:s16], [sflag:$0x3] =	stream.linear.gather [hbm4b:s9+s3], $0x80, $0x38;
	[tilespmem:$0x1E180] =	vst v63  }
0x1a: {  	[spmem:s18], [sflag:s17] =	dma.local [hbm:s6], $0x2710  }
0x1b: {  	_ =	swait.ge [sflag:s13], $0x2710  }
0x1c: {  	[sflag:s13] =	ssyncset.done $0x0  }
0x1d: {  	[sflag:s13] =	ssyncadd.s32 $0xFFFFD8F0  }
0x1e: {  	s26 =	simm.s32 $0x80;
	[bflag:$0x0] =	sbarrier.arrive $0xFFFF  }
0x1f: {  	[tilespmem:s19], [sflag:$0x2] =	stream.indirect.gather [hbm4b:s5+s14], $0x80, s26, s14, $0xb8;
	[tilespmem:$0x1E180] =	vst v63  }
0x20: {  	_ = 	snop  }
0x21: {  	[tilespmem:s20], [sflag:$0x4] =	stream.linear.gather [hbm4b:s12+s3], $0x80, $0x38;
	[tilespmem:$0x1E180] =	vst v63  }
0x22: {  	_ =	swait.ge [sflag:s21], $0x3E80  }
0x23: {  	[sflag:s21] =	ssyncset.done $0x0  }
0x24: {  	[sflag:s21] =	ssyncadd.s32 $0xFFFFC180  }
0x25: {  	_ =	swait.ge [sflag:s22], $0x80  }
0x26: {  	s28 =	smin.u32 s3, $0x4C;
	[sflag:s22] =	ssyncset.done $0x0  }
0x27: {  	s28 =	sadd.s32 $0x2, s28;
	[sflag:s22] =	ssyncadd.s32 $0xFFFFFF80  }
0x28: {  	[spmem:s2] =	stream.indirect.scatter.add.f32 [tilespmem:s15], [sflag:$0x5], $0x80, s16, s14, $0xb8;
	[tilespmem:$0x1E180] =	vst v63  }
0x29: {  	s29 =	sadd.s32 s7, s28;
	_ =	swait.ge [sflag:s13], $0x3E80  }
0x2a: {  	s29 =	sshll.u32 s29, $0x4;
	[sflag:s13] =	ssyncset.done $0x0  }
0x2b: {  	s28 =	sshll.u32 s28, $0x7;
	s29 =	sand.u32 $0x1FFE0, s29;
	[sflag:s13] =	ssyncadd.s32 $0xFFFFC180  }
0x2c: {  	[tilespmem:s15], [sflag:$0x1] =	stream.indirect.gather [hbm4b:s5+s14], $0x80, s28, s14, $0xb8;
	[tilespmem:$0x1E180] =	vst v63  }
0x2d: {  	s28 =	sadd.s32 s4, s29  }
0x2e: {  	[tilespmem:s16], [sflag:$0x3] =	stream.linear.gather [hbm4b:s28+s3], $0x80, $0x38;
	[tilespmem:$0x1E180] =	vst v63  }
0x2f: {  	_ =	swait.ge [sflag:s23], $0x3E80  }
0x30: {  	[sflag:s23] =	ssyncset.done $0x0  }
0x31: {  	[sflag:s23] =	ssyncadd.s32 $0xFFFFC180  }
0x32: {  	_ =	swait.ge [sflag:s24], $0x80  }
0x33: {  	[sflag:s24] =	ssyncset.done $0x0  }
0x34: {  	[sflag:s24] =	ssyncadd.s32 $0xFFFFFF80  }
0x35: {  	[spmem:s2] =	stream.indirect.scatter.add.f32 [tilespmem:s19], [sflag:$0x5], $0x80, s20, s14, $0xb8;
	[tilespmem:$0x1E180] =	vst v63  }
0x36: {  	s29 =	smov.u32 s12;
	s28 =	simm.s32 $0x2;
	_ =	swait.ge [sflag:s13], $0x3E80  }
.LBB2_2:
0x37: {  	[sflag:s13] =	ssyncset.done $0x0  }
0x38: {  	s26 =	sadd.s32 $0x100, s26;
	s29 =	sadd.s32 $0x20, s29;
	s30 =	smov.u32 s28  }
0x39: {  	p0 =	sne.s32 s28, $0x4E;
	s28 =	sadd.s32 $0x2, s28;
	[sflag:s13] =	ssyncadd.s32 $0xFFFFC180  }
0x3a: {  	[tilespmem:s19], [sflag:$0x2] =	stream.indirect.gather [hbm4b:s5+s14], $0x80, s26, s14, $0xb8;
	[tilespmem:$0x1E180] =	vst v63  }
0x3b: {  	_ = 	snop  }
0x3c: {  	[tilespmem:s20], [sflag:$0x4] =	stream.linear.gather [hbm4b:s29+s3], $0x80, $0x38;
	[tilespmem:$0x1E180] =	vst v63  }
0x3d: {  	_ =	swait.ge [sflag:s21], $0x3E80  }
0x3e: {  	[sflag:s21] =	ssyncset.done $0x0  }
0x3f: {  	[sflag:s21] =	ssyncadd.s32 $0xFFFFC180  }
0x40: {  	_ =	swait.ge [sflag:s22], $0x80  }
0x41: {  	s30 =	smin.u32 s30, $0x4C;
	[sflag:s22] =	ssyncset.done $0x0  }
0x42: {  	s30 =	sadd.s32 $0x2, s30;
	[sflag:s22] =	ssyncadd.s32 $0xFFFFFF80  }
0x43: {  	[spmem:s2] =	stream.indirect.scatter.add.f32 [tilespmem:s15], [sflag:$0x5], $0x80, s16, s14, $0xb8;
	[tilespmem:$0x1E180] =	vst v63  }
0x44: {  	s31 =	sadd.s32 s7, s30;
	_ =	swait.ge [sflag:s13], $0x3E80  }
0x45: {  	s30 =	sshll.u32 s30, $0x7;
	s31 =	sshll.u32 s31, $0x4;
	[sflag:s13] =	ssyncset.done $0x0  }
0x46: {  	s31 =	sand.u32 $0x1FFE0, s31;
	[sflag:s13] =	ssyncadd.s32 $0xFFFFC180  }
0x47: {  	[tilespmem:s15], [sflag:$0x1] =	stream.indirect.gather [hbm4b:s5+s14], $0x80, s30, s14, $0xb8;
	[tilespmem:$0x1E180] =	vst v63  }
0x48: {  	s30 =	sadd.s32 s4, s31  }
0x49: {  	[tilespmem:s16], [sflag:$0x3] =	stream.linear.gather [hbm4b:s30+s3], $0x80, $0x38;
	[tilespmem:$0x1E180] =	vst v63  }
0x4a: {  	_ =	swait.ge [sflag:s23], $0x3E80  }
0x4b: {  	[sflag:s23] =	ssyncset.done $0x0  }
0x4c: {  	[sflag:s23] =	ssyncadd.s32 $0xFFFFC180  }
.Ltmp0:
0x4d: {  	_ =	swait.ge [sflag:s24], $0x80;
	(pc) =	sbr.rel @p0 .LBB2_2-.Ltmp0, $4  }
0x4e: {  	[sflag:s24] =	ssyncset.done $0x0  }
0x4f: {  	[sflag:s24] =	ssyncadd.s32 $0xFFFFFF80  }
0x50: {  	[spmem:s2] =	stream.indirect.scatter.add.f32 [tilespmem:s19], [sflag:$0x5], $0x80, s20, s14, $0xb8;
	[tilespmem:$0x1E180] =	vst v63  }
0x51: {  	_ =	swait.ge [sflag:s13], $0x3E80  }
0x52: {  	[sflag:s13] =	ssyncset.done $0x0  }
0x53: {  	[sflag:s13] =	ssyncadd.s32 $0xFFFFC180  }
0x54: {  	_ =	swait.ge [sflag:s21], $0x3E80  }
0x55: {  	[sflag:s21] =	ssyncset.done $0x0  }
0x56: {  	[sflag:s21] =	ssyncadd.s32 $0xFFFFC180  }
0x57: {  	_ =	swait.ge [sflag:s22], $0x80  }
0x58: {  	s25 =	sadd.s32 $0x1, s25;
	[sflag:s22] =	ssyncset.done $0x0  }
0x59: {  	p0 =	sne.s32 s25, s11;
	[sflag:s22] =	ssyncadd.s32 $0xFFFFFF80  }
.Ltmp1:
0x5a: {  	[bflag:$0x0] =	sbarrier.arrive $0xFFFF;
	(pc) =	sbr.rel @p0 .LBB2_1-.Ltmp1, $4  }
0x5b: {  	[hbm:s10], [sflag:s17] =	dma.local [spmem:s18], $0x2710  }
0x5c: {  	_ =	swait.ge [sflag:s13], $0x2710  }
0x5d: {  	[sflag:s13] =	ssyncset.done $0x0  }
0x5e: {  	[sflag:s13] =	ssyncadd.s32 $0xFFFFD8F0  }
0x5f: {  	_ =	sfence.sel $0x180000  }
0x60: {  	[bflag:$0x0] =	sbarrier.arrive $0xFFFF  }
0x61: {  	p0 =	sne.s32 s0, $0x0;
	_ =	strace $0x9000004A  }
0x62: {  	s0 =	sadd.s32 @!p0 $0x100000, s1;
	[bflag:$0x2] =	sbarrier.arrive $0xFFFF  }
0x63: {  	[sflag:s0] =	ssyncadd.tile.s32 @!p0 $0x1;
	_ =	shalt  }
.Lfunc_end2:
_tile_overlayer_lowered:
.L_overlay_start_2:
0x64: {  	(tag) =	ssettag $0x2  }
0x65: {  	s0 =	rddreg [dreg:$0x0];
	s2 =	stileid.u32  }
0x66: {  	s1 =	rddreg [dreg:$0x1];
	p0 =	sne.s32 s2, $0x0  }
0x67: {  	s3 =	rddreg [dreg:$0x2];
	[bflag:$0x3] =	sbarrier.arrive $0xFFFF;
	s2 =	simm.s32 @!p0 $0x1C05  }
0x68: {  	[timem:s3], [sflag:s2] =	dma.local @!p0 [hbm:s0], s1  }
0x69: {  	s0 =	simm.s32 @!p0 $0x5  }
0x6a: {  	_ =	swait.ge @!p0 [sflag:s0], s1  }
0x6b: {  	s1 =	ssub.s32 @!p0 $0x0, s1;
	[sflag:s0] =	ssyncset.done @!p0 $0x0  }
0x6c: {  	[sflag:s0] =	ssyncadd.s32 @!p0 s1  }
0x6d: {  	[bflag:$0x3] =	sbarrier.arrive $0xFFFF  }
0x6e: {  	_ =	shalt  }

// kernel: kernel.16.cloned.1.call-start
scs
__scs_entry_jumppad:
0x0: {  	(pc) =	sbr.rel $0x88, $3  }
0x1: {  	(tag) =	ssettag $0x0;
	lr =	simm.s32 $0x1  }
0x2: {  	[smem:$0x3F8D] =	sst lr;
	_ =	strace $0xD0000000  }
0x3: {  	_ = 	snop  }
0x4: {  	_ = 	snop  }
0x5: {  	_ = 	snop  }
0x6: {  	_ = 	snop  }
0x7: {  	_ = 	snop  }
__scs_overlays_trampoline_lowered:
0x8: {  	[smem:$0x3F9C] =	sst s0  }
0x9: {  	[smem:$0x3F9D] =	sst s1  }
0xa: {  	[smem:$0x3F9E] =	sst s2  }
0xb: {  	[smem:$0x3F9F] =	sst s3  }
0xc: {  	[smem:$0x3FA0] =	sst s4  }
0xd: {  	[smem:$0x3FA1] =	sst s5  }
0xe: {  	[smem:$0x3FA2] =	sst s6  }
0xf: {  	[smem:$0x3FA3] =	sst s7  }
0x10: {  	[smem:$0x3FA4] =	sst s8  }
0x11: {  	[smem:$0x3FA5] =	sst s9;
	s0 =	simm.s32 @!p0 $0x0  }
0x12: {  	s1 =	sld [smem:$0x3F8B];
	s0 =	simm.s32 @p0 $0x1  }
0x13: {  	[smem:$0x3FA6] =	sst s0;
	s0 =	simm.s32 @!p1 $0x0  }
0x14: {  	s2 =	sld [smem:$0x3F8A];
	s0 =	simm.s32 @p1 $0x1  }
0x15: {  	[smem:$0x3FA7] =	sst s0;
	s0 =	simm.s32 @!p2 $0x0  }
0x16: {  	s3 =	sld [smem:$0x3FDB];
	s0 =	simm.s32 @p2 $0x1  }
0x17: {  	s4 =	simm.s32 $0x1BF5;
	[smem:$0x3FA9] =	sst s0  }
0x18: {  	s0 =	sld [smem:$0x3F8C];
	_ =	swait.ge [sflag:s4], $0x0  }
0x19: {  	s7 =	sld [smem:$0x3F8D]  }
0x1a: {  	s8 =	sadd.s32 $0xFFFFE003, lr  }
0x1b: {  	s9 =	sadd.s32 $0xFFFFFEF7, lr;
	s5 =	simm.s32 $0xFFFFFFFF;
	p2 =	slt.u32 s8, $0xFFFFF086  }
0x1c: {  	p1 =	slt.u32 s9, $0xF7A;
	s5 =	simm.s32 @!p2 $0x0  }
0x1d: {  	s5 =	simm.s32 @p1 $0x1;
	p0 =	seq.s32 s7, s2  }
0x1e: {  	s7 =	smul.u32 @!p0 $0xF7A, s2;
	p2 =	seq.s32 @!p0 s5, $0x0  }
0x1f: {  	s9 =	smul.u32 $0xF7A, s1;
	s8 =	simm.s32 @!p0 $0x1BF5;
	p2 =	por !p2, p0  }
0x20: {  	[sflag:s8] =	ssyncset.s32 @!p0 $0xFFFFF086;
	s6 =	sadd.s32 @!p0 s3, s7;
	s7 =	simm.s32 @!p0 $0x108  }
0x21: {  	s3 =	sadd.s32 s3, s9;
	s6 =	sadd.s32 @!p0 $0x88, s6;
	s7 =	simm.s32 @p2 $0x1082  }
0x22: {  	[simem:s7], [sflag:s8] =	dma.local @!p0 [hbm:s6], $0xF7A  }
0x23: {  	s9 =	sor.u32 $0xD0000000, s2;
	s6 =	simm.s32 $0x108;
	_ =	swait.ge @!p0 [sflag:s8], $0x0  }
0x24: {  	s3 =	sadd.s32 $0x88, s3;
	s6 =	simm.s32 @!p1 $0x1082;
	[sflag:s4] =	ssyncset.s32 $0xFFFFF086  }
0x25: {  	[simem:s6], [sflag:s4] =	dma.local [hbm:s3], $0xF7A  }
0x26: {  	[smem:$0x3F8D] =	sst s1;
	(tag) =	ssettag s2;
	_ =	strace s9  }
0x27: {  	s1 =	sld [smem:$0x3F9D]  }
0x28: {  	s2 =	sld [smem:$0x3F9E]  }
0x29: {  	s4 =	sld [smem:$0x3FA0]  }
0x2a: {  	p0 =	seq.s32 s5, $0x0;
	s5 =	sld [smem:$0x3FA1]  }
0x2b: {  	s6 =	sld [smem:$0x3FA2]  }
0x2c: {  	s7 =	sld [smem:$0x3FA3]  }
0x2d: {  	s3 =	simm.s32 $0x108;
	s8 =	sld [smem:$0x3FA4]  }
0x2e: {  	s3 =	simm.s32 @!p0 $0x1082;
	s9 =	sld [smem:$0x3FA5]  }
0x2f: {  	lr =	sadd.s32 s0, s3;
	s0 =	sld [smem:$0x3F9C]  }
0x30: {  	s3 =	sld [smem:$0x3F9F]  }
0x31: {  	[smem:$0x3FA8] =	sst s10  }
0x32: {  	s10 =	sld [smem:$0x3FA6];
	_ =	sdelay $0x3  }
0x33: {  	p0 =	seq.s32 s10, $0x1;
	s10 =	sld [smem:$0x3FA8];
	_ =	sdelay $0x3  }
0x34: {  	[smem:$0x3FA8] =	sst s10  }
0x35: {  	s10 =	sld [smem:$0x3FA7];
	_ =	sdelay $0x3  }
0x36: {  	p1 =	seq.s32 s10, $0x1;
	s10 =	sld [smem:$0x3FA8];
	_ =	sdelay $0x3  }
0x37: {  	[smem:$0x3FA8] =	sst s10  }
0x38: {  	s10 =	sld [smem:$0x3FA9]  }
0x39: {  	_ = 	snop;
	(pc) =	sbr.ind lr, $3  }
0x3a: {  	_ = 	snop  }
0x3b: {  	_ = 	snop  }
0x3c: {  	p2 =	seq.s32 s10, $0x1;
	s10 =	sld [smem:$0x3FA8]  }
0x3d: {  	_ =	shalt  }
0x3e: {  	_ =	shalt  }
0x3f: {  	_ =	shalt  }
0x40: {  	_ =	shalt  }
0x41: {  	_ =	shalt  }
0x42: {  	_ =	shalt  }
0x43: {  	_ =	shalt  }
0x44: {  	_ =	shalt  }
0x45: {  	_ =	shalt  }
0x46: {  	_ =	shalt  }
0x47: {  	_ =	shalt  }
0x48: {  	_ =	shalt  }
0x49: {  	_ =	shalt  }
0x4a: {  	_ =	shalt  }
0x4b: {  	_ =	shalt  }
0x4c: {  	_ =	shalt  }
0x4d: {  	_ =	shalt  }
0x4e: {  	_ =	shalt  }
0x4f: {  	_ =	shalt  }
0x50: {  	_ =	shalt  }
0x51: {  	_ =	shalt  }
0x52: {  	_ =	shalt  }
0x53: {  	_ =	shalt  }
0x54: {  	_ =	shalt  }
0x55: {  	_ =	shalt  }
0x56: {  	_ =	shalt  }
0x57: {  	_ =	shalt  }
0x58: {  	_ =	shalt  }
0x59: {  	_ =	shalt  }
0x5a: {  	_ =	shalt  }
0x5b: {  	_ =	shalt  }
0x5c: {  	_ =	shalt  }
0x5d: {  	_ =	shalt  }
0x5e: {  	_ =	shalt  }
0x5f: {  	_ =	shalt  }
0x60: {  	_ =	shalt  }
0x61: {  	_ =	shalt  }
0x62: {  	_ =	shalt  }
0x63: {  	_ =	shalt  }
0x64: {  	_ =	shalt  }
0x65: {  	_ =	shalt  }
0x66: {  	_ =	shalt  }
0x67: {  	_ =	shalt  }
0x68: {  	_ =	shalt  }
0x69: {  	_ =	shalt  }
0x6a: {  	_ =	shalt  }
0x6b: {  	_ =	shalt  }
0x6c: {  	_ =	shalt  }
0x6d: {  	_ =	shalt  }
0x6e: {  	_ =	shalt  }
0x6f: {  	_ =	shalt  }
0x70: {  	_ =	shalt  }
0x71: {  	_ =	shalt  }
0x72: {  	_ =	shalt  }
0x73: {  	_ =	shalt  }
0x74: {  	_ =	shalt  }
0x75: {  	_ =	shalt  }
0x76: {  	_ =	shalt  }
0x77: {  	_ =	shalt  }
0x78: {  	_ =	shalt  }
0x79: {  	_ =	shalt  }
0x7a: {  	_ =	shalt  }
0x7b: {  	_ =	shalt  }
0x7c: {  	_ =	shalt  }
0x7d: {  	_ =	shalt  }
0x7e: {  	_ =	shalt  }
0x7f: {  	_ =	shalt  }
0x80: {  	_ =	shalt  }
0x81: {  	_ =	shalt  }
0x82: {  	_ =	shalt  }
0x83: {  	_ =	shalt  }
0x84: {  	_ =	shalt  }
0x85: {  	_ =	shalt  }
0x86: {  	_ =	shalt  }
0x87: {  	_ =	shalt  }
.Lfunc_end0:
.L_simem_size_0:
called_computation.2_lowered:
.L_overlay_start_0:
0x88: {  	s2 =	sld [smem:$0x3FD9]  }
0x89: {  	s3 =	sld [smem:$0x3FFE];
	_ =	sdelay $0x1  }
0x8a: {  	s1 =	srdreg.scid  }
0x8b: {  	s0 =	sand.u32 $0x1, s1  }
0x8c: {  	s17 =	sshll.u32 s0, $0xA;
	s2 =	sadd.s32 s3, s2  }
0x8d: {  	s2 =	sadd.s32 s2, s17  }
0x8e: {  	[smem:$0x3FB4] =	sst s2  }
0x8f: {  	_ = 	snop  }
0x90: {  	s2 =	sld [smem:$0x3FD0];
	(tm) =	ssettm $0x1  }
0x91: {  	s18 =	sld [smem:$0x3FFB];
	_ =	sdelay $0x3  }
0x92: {  	_ =	strace s18  }
0x93: {  	s3 =	sld [smem:$0x3FFC];
	_ =	sdelay $0x3  }
0x94: {  	_ =	strace s3  }
0x95: {  	s3 =	sld [smem:$0x3FFD];
	_ =	sdelay $0x3  }
0x96: {  	_ =	strace s3  }
0x97: {  	_ =	strace $0x8FFFFFFF  }
0x98: {  	s19 =	sld [smem:$0x3FDB];
	_ =	sdelay $0x1  }
0x99: {  	s4 =	simm.s32 $_scs_section_size  }
0x9a: {  	s5 =	simm.s32 $_size__tile_overlayer_lowered;
	s6 =	simm.s32 $_tile_overlayer_lowered  }
0x9b: {  	s22 =	simm.s32 $0x1BFF;
	s21 =	sshll.u32 s6, $0x1;
	s3 =	sadd.s32 s4, s19  }
0x9c: {  	s7 =	simm.s32 $0x0;
	s20 =	sshll.u32 s5, $0x1;
	s5 =	sadd.s32 s21, s3  }
0x9d: {  	[timem:s7], [sflag:s22] =	dma.local [hbm:s5], s20  }
0x9e: {  	_ =	swait.ge [sflag:s22], s20  }
0x9f: {  	s4 =	ssub.s32 $0x0, s20;
	[sflag:s22] =	ssyncset.done $0x0  }
0xa0: {  	[sflag:s22] =	ssyncadd.s32 s4;
	_ =	sdelay $0x1  }
0xa1: {  	s23 =	simm.s32 $0x1B8B  }
0xa2: {  	_ =	swait.ge [sflag:s23], $0x1  }
0xa3: {  	[sflag:s23] =	ssyncset.done $0x0  }
0xa4: {  	s25 =	simm.s32 $0x1B8E;
	s24 =	sld [smem:$0x3FFE];
	[sflag:s23] =	ssyncadd.s32 $0xFFFFFFFF  }
0xa5: {  	s26 =	simm.s32 $execute0_lowered;
	[smem:$0x3FD2] =	sst s25  }
0xa6: {  	s5 =	sshll.u32 s26, $0x1;
	_ =	strace $0x8000004C;
	[dreg:$0x1] =	wrdreg $0xFFFFFFFF  }
0xa7: {  	s28 =	simm.s32 $_size_execute0_lowered;
	s3 =	sadd.s32 s3, s5;
	[dreg:$0x0] =	wrdreg $0x0  }
0xa8: {  	s5 =	sshll.u32 s28, $0x1;
	[dreg:$0x2] =	wrdreg s3  }
0xa9: {  	[dreg:$0x3] =	wrdreg s5  }
0xaa: {  	[dreg:$0x4] =	wrdreg $0xC0  }
0xab: {  	_ =	task [dreg:s7], $0x5FFFF  }
0xac: {  	[dreg:$0x1] =	wrdreg $0xFFFFFFFF  }
0xad: {  	[dreg:$0x0] =	wrdreg $0x60  }
0xae: {  	[dreg:$0x2] =	wrdreg s2  }
0xaf: {  	[dreg:$0x3] =	wrdreg s24  }
0xb0: {  	[dreg:$0x4] =	wrdreg $0xA9000  }
0xb1: {  	[dreg:$0x5] =	wrdreg $0x9  }
0xb2: {  	_ =	task.clear_ibuf [dreg:s7], $0x6FFFF;
	_ =	strace $0x9000004C  }
0xb3: {  	s29 =	simm.s32 $0x9;
	_ =	strace $0x8000004E  }
0xb4: {  	_ =	swait.ge [sflag:s29], $0x1  }
0xb5: {  	[sflag:s29] =	ssyncadd.s32 $0xFFFFFFFF  }
0xb6: {  	_ =	strace $0x9000004E  }
0xb7: {  	_ =	sfence  }
0xb8: {  	s30 =	sld [smem:$0x0];
	_ =	sdelay $0x2  }
0xb9: {  	s31 =	sshll.u32 s1, $0xD;
	s1 =	sshrl.u32 s1, $0x2  }
0xba: {  	s3 =	sand.u32 $0x4000, s31;
	s1 =	sadd.s32 s1, s30  }
0xbb: {  	s0 =	sor.u32 s3, s0;
	s1 =	sshll.u32 s1, $0x11  }
0xbc: {  	s0 =	sor.u32 s1, s0  }
0xbd: {  	s0 =	sadd.s32 $0x8F2B, s0  }
0xbe: {  	[sflag:s0] =	ssyncadd.remote.s32 $0x1  }
0xbf: {  	_ =	sfence.sel $0xFFFF  }
0xc0: {  	[dreg:$0x0] =	wrdreg $0xFFFFFFFF;
	(pc) =	sbr.abs _section_cstart, $3  }
0xc1: {  	[dreg:$0x1] =	wrdreg $0xFFFFFFFF  }
0xc2: {  	_ =	task.clear_ibuf [dreg:s7], $0x2FFFF;
	_ =	strace $0x9FFFFFFF  }
0xc3: {  	(tm) =	ssettm $0x7FFFFFFF  }
tec
execute0_lowered:
.L_overlay_start_1:
0x0: {  	(tag) =	ssettag $0x1  }
0x1: {  	s8 =	rddreg [dreg:$0x0]  }
0x2: {  	s7 =	rddreg [dreg:$0x1]  }
0x3: {  	s0 =	srdreg.scid;
	s2 =	rddreg [dreg:$0x2]  }
0x4: {  	s3 =	simm.s32 $0x0;
	s19 =	simm.s32 $0x6800;
	s20 =	simm.s32 $0xA880  }
0x5: {  	s21 =	simm.s32 $0x1;
	s22 =	simm.s32 $0x3;
	s23 =	simm.s32 $0x2  }
0x6: {  	s24 =	simm.s32 $0x4;
	s25 =	simm.s32 $0x0;
	s6 =	sand.u32 $0x1, s0  }
0x7: {  	s0 =	stileid.u32;
	[smem:$0x7FF] =	sst s3;
	s4 =	sadd.s32 $0x19800, s7  }
0x8: {  	s5 =	sadd.s32 $0x23800, s7;
	s1 =	sshll.u32 s6, $0x4;
	s12 =	smul.u32 $0x4E200, s0  }
0x9: {  	s13 =	ssub.s32 $0x2, s6;
	s14 =	smul.u32 $0x500, s6;
	s6 =	sadd.s32 $0x5C00, s7  }
0xa: {  	s16 =	smul.u32 $0x50, s0;
	s17 =	sshll.u32 s0, $0x6;
	s9 =	sor.u32 s0, s1  }
0xb: {  	s1 =	rddreg [dreg:$0x3];
	_ =	strace $0x8000004D;
	s10 =	smul.u32 $0x2780, s9  }
0xc: {  	s15 =	sshrl.u32 s13, $0x1;
	s17 =	sor.u32 $0x1C05, s17;
	s11 =	smul.u32 $0x500, s9  }
0xd: {  	s13 =	ssub.s32 s13, s15;
	s12 =	sshrl.u32 s12, $0x2;
	s14 =	sadd.s32 s16, s14  }
0xe: {  	s15 =	simm.s32 $0x2800;
	s16 =	simm.s32 $0xA800;
	s18 =	sadd.s32 s12, s2  }
0xf: {  	s31 =	sshll.u32 s14, $0x4;
	s14 =	simm.s32 $0x7D;
	s10 =	sadd.s32 s10, s7  }
0x10: {  	s7 =	smul.u32 $0x50, s9;
	s8 =	sadd.s32 s8, s11;
	s9 =	sadd.s32 s4, s11  }
0x11: {  	s11 =	smax.u32 s13, $0x1;
	s12 =	sadd.s32 s31, s4;
	s13 =	simm.s32 $0x5  }
0x12: {  	s18 =	sshrl.u32 s18, $0x3;
	s10 =	sadd.s32 $0x71C00, s10;
	s12 =	sadd.s32 $0x10, s12  }
.LBB2_1:
0x13: {  	[tilespmem:s3], [sflag:$0x5] =	stream.linear.gather [hbm4b:s8+s3], $0x2800, $0x38;
	[tilespmem:$0x1E180] =	vst v63  }
0x14: {  	_ =	swait.ge [sflag:s13], $0x2800  }
0x15: {  	[sflag:s13] =	ssyncset.done $0x0  }
0x16: {  	[sflag:s13] =	ssyncadd.s32 $0xFFFFD800  }
0x17: {  	[tilespmem:s15], [sflag:$0x1] =	stream.indirect.gather [hbm4b:s5+s14], $0x80, s3, s14, $0xb8;
	[tilespmem:$0x1E180] =	vst v63  }
0x18: {  	_ = 	snop  }
0x19: {  	[tilespmem:s16], [sflag:$0x3] =	stream.linear.gather [hbm4b:s9+s3], $0x80, $0x38;
	[tilespmem:$0x1E180] =	vst v63  }
0x1a: {  	[spmem:s18], [sflag:s17] =	dma.local [hbm:s6], $0x2710  }
0x1b: {  	_ =	swait.ge [sflag:s13], $0x2710  }
0x1c: {  	[sflag:s13] =	ssyncset.done $0x0  }
0x1d: {  	[sflag:s13] =	ssyncadd.s32 $0xFFFFD8F0  }
0x1e: {  	s26 =	simm.s32 $0x80;
	[bflag:$0x0] =	sbarrier.arrive $0xFFFF  }
0x1f: {  	[tilespmem:s19], [sflag:$0x2] =	stream.indirect.gather [hbm4b:s5+s14], $0x80, s26, s14, $0xb8;
	[tilespmem:$0x1E180] =	vst v63  }
0x20: {  	_ = 	snop  }
0x21: {  	[tilespmem:s20], [sflag:$0x4] =	stream.linear.gather [hbm4b:s12+s3], $0x80, $0x38;
	[tilespmem:$0x1E180] =	vst v63  }
0x22: {  	_ =	swait.ge [sflag:s21], $0x3E80  }
0x23: {  	[sflag:s21] =	ssyncset.done $0x0  }
0x24: {  	[sflag:s21] =	ssyncadd.s32 $0xFFFFC180  }
0x25: {  	_ =	swait.ge [sflag:s22], $0x80  }
0x26: {  	s28 =	smin.u32 s3, $0x4C;
	[sflag:s22] =	ssyncset.done $0x0  }
0x27: {  	s28 =	sadd.s32 $0x2, s28;
	[sflag:s22] =	ssyncadd.s32 $0xFFFFFF80  }
0x28: {  	[spmem:s2] =	stream.indirect.scatter.add.f32 [tilespmem:s15], [sflag:$0x5], $0x80, s16, s14, $0xb8;
	[tilespmem:$0x1E180] =	vst v63  }
0x29: {  	s29 =	sadd.s32 s7, s28;
	_ =	swait.ge [sflag:s13], $0x3E80  }
0x2a: {  	s29 =	sshll.u32 s29, $0x4;
	[sflag:s13] =	ssyncset.done $0x0  }
0x2b: {  	s28 =	sshll.u32 s28, $0x7;
	s29 =	sand.u32 $0x1FFE0, s29;
	[sflag:s13] =	ssyncadd.s32 $0xFFFFC180  }
0x2c: {  	[tilespmem:s15], [sflag:$0x1] =	stream.indirect.gather [hbm4b:s5+s14], $0x80, s28, s14, $0xb8;
	[tilespmem:$0x1E180] =	vst v63  }
0x2d: {  	s28 =	sadd.s32 s4, s29  }
0x2e: {  	[tilespmem:s16], [sflag:$0x3] =	stream.linear.gather [hbm4b:s28+s3], $0x80, $0x38;
	[tilespmem:$0x1E180] =	vst v63  }
0x2f: {  	_ =	swait.ge [sflag:s23], $0x3E80  }
0x30: {  	[sflag:s23] =	ssyncset.done $0x0  }
0x31: {  	[sflag:s23] =	ssyncadd.s32 $0xFFFFC180  }
0x32: {  	_ =	swait.ge [sflag:s24], $0x80  }
0x33: {  	[sflag:s24] =	ssyncset.done $0x0  }
0x34: {  	[sflag:s24] =	ssyncadd.s32 $0xFFFFFF80  }
0x35: {  	[spmem:s2] =	stream.indirect.scatter.add.f32 [tilespmem:s19], [sflag:$0x5], $0x80, s20, s14, $0xb8;
	[tilespmem:$0x1E180] =	vst v63  }
0x36: {  	s29 =	smov.u32 s12;
	s28 =	simm.s32 $0x2;
	_ =	swait.ge [sflag:s13], $0x3E80  }
.LBB2_2:
0x37: {  	[sflag:s13] =	ssyncset.done $0x0  }
0x38: {  	s26 =	sadd.s32 $0x100, s26;
	s29 =	sadd.s32 $0x20, s29;
	s30 =	smov.u32 s28  }
0x39: {  	p0 =	sne.s32 s28, $0x4E;
	s28 =	sadd.s32 $0x2, s28;
	[sflag:s13] =	ssyncadd.s32 $0xFFFFC180  }
0x3a: {  	[tilespmem:s19], [sflag:$0x2] =	stream.indirect.gather [hbm4b:s5+s14], $0x80, s26, s14, $0xb8;
	[tilespmem:$0x1E180] =	vst v63  }
0x3b: {  	_ = 	snop  }
0x3c: {  	[tilespmem:s20], [sflag:$0x4] =	stream.linear.gather [hbm4b:s29+s3], $0x80, $0x38;
	[tilespmem:$0x1E180] =	vst v63  }
0x3d: {  	_ =	swait.ge [sflag:s21], $0x3E80  }
0x3e: {  	[sflag:s21] =	ssyncset.done $0x0  }
0x3f: {  	[sflag:s21] =	ssyncadd.s32 $0xFFFFC180  }
0x40: {  	_ =	swait.ge [sflag:s22], $0x80  }
0x41: {  	s30 =	smin.u32 s30, $0x4C;
	[sflag:s22] =	ssyncset.done $0x0  }
0x42: {  	s30 =	sadd.s32 $0x2, s30;
	[sflag:s22] =	ssyncadd.s32 $0xFFFFFF80  }
0x43: {  	[spmem:s2] =	stream.indirect.scatter.add.f32 [tilespmem:s15], [sflag:$0x5], $0x80, s16, s14, $0xb8;
	[tilespmem:$0x1E180] =	vst v63  }
0x44: {  	s31 =	sadd.s32 s7, s30;
	_ =	swait.ge [sflag:s13], $0x3E80  }
0x45: {  	s30 =	sshll.u32 s30, $0x7;
	s31 =	sshll.u32 s31, $0x4;
	[sflag:s13] =	ssyncset.done $0x0  }
0x46: {  	s31 =	sand.u32 $0x1FFE0, s31;
	[sflag:s13] =	ssyncadd.s32 $0xFFFFC180  }
0x47: {  	[tilespmem:s15], [sflag:$0x1] =	stream.indirect.gather [hbm4b:s5+s14], $0x80, s30, s14, $0xb8;
	[tilespmem:$0x1E180] =	vst v63  }
0x48: {  	s30 =	sadd.s32 s4, s31  }
0x49: {  	[tilespmem:s16], [sflag:$0x3] =	stream.linear.gather [hbm4b:s30+s3], $0x80, $0x38;
	[tilespmem:$0x1E180] =	vst v63  }
0x4a: {  	_ =	swait.ge [sflag:s23], $0x3E80  }
0x4b: {  	[sflag:s23] =	ssyncset.done $0x0  }
0x4c: {  	[sflag:s23] =	ssyncadd.s32 $0xFFFFC180  }
.Ltmp0:
0x4d: {  	_ =	swait.ge [sflag:s24], $0x80;
	(pc) =	sbr.rel @p0 .LBB2_2-.Ltmp0, $4  }
0x4e: {  	[sflag:s24] =	ssyncset.done $0x0  }
0x4f: {  	[sflag:s24] =	ssyncadd.s32 $0xFFFFFF80  }
0x50: {  	[spmem:s2] =	stream.indirect.scatter.add.f32 [tilespmem:s19], [sflag:$0x5], $0x80, s20, s14, $0xb8;
	[tilespmem:$0x1E180] =	vst v63  }
0x51: {  	_ =	swait.ge [sflag:s13], $0x3E80  }
0x52: {  	[sflag:s13] =	ssyncset.done $0x0  }
0x53: {  	[sflag:s13] =	ssyncadd.s32 $0xFFFFC180  }
0x54: {  	_ =	swait.ge [sflag:s21], $0x3E80  }
0x55: {  	[sflag:s21] =	ssyncset.done $0x0  }
0x56: {  	[sflag:s21] =	ssyncadd.s32 $0xFFFFC180  }
0x57: {  	_ =	swait.ge [sflag:s22], $0x80  }
0x58: {  	s25 =	sadd.s32 $0x1, s25;
	[sflag:s22] =	ssyncset.done $0x0  }
0x59: {  	p0 =	sne.s32 s25, s11;
	[sflag:s22] =	ssyncadd.s32 $0xFFFFFF80  }
.Ltmp1:
0x5a: {  	[bflag:$0x0] =	sbarrier.arrive $0xFFFF;
	(pc) =	sbr.rel @p0 .LBB2_1-.Ltmp1, $4  }
0x5b: {  	[hbm:s10], [sflag:s17] =	dma.local [spmem:s18], $0x2710  }
0x5c: {  	_ =	swait.ge [sflag:s13], $0x2710  }
0x5d: {  	[sflag:s13] =	ssyncset.done $0x0  }
0x5e: {  	[sflag:s13] =	ssyncadd.s32 $0xFFFFD8F0  }
0x5f: {  	_ =	sfence.sel $0x180000  }
0x60: {  	[bflag:$0x0] =	sbarrier.arrive $0xFFFF  }
0x61: {  	p0 =	sne.s32 s0, $0x0;
	_ =	strace $0x9000004D  }
0x62: {  	s0 =	sadd.s32 @!p0 $0x100000, s1;
	[bflag:$0x2] =	sbarrier.arrive $0xFFFF  }
0x63: {  	[sflag:s0] =	ssyncadd.tile.s32 @!p0 $0x1;
	_ =	shalt  }
.Lfunc_end2:
_tile_overlayer_lowered:
.L_overlay_start_2:
0x64: {  	(tag) =	ssettag $0x2  }
0x65: {  	s0 =	rddreg [dreg:$0x0];
	s2 =	stileid.u32  }
0x66: {  	s1 =	rddreg [dreg:$0x1];
	p0 =	sne.s32 s2, $0x0  }
0x67: {  	s3 =	rddreg [dreg:$0x2];
	[bflag:$0x3] =	sbarrier.arrive $0xFFFF;
	s2 =	simm.s32 @!p0 $0x1C05  }
0x68: {  	[timem:s3], [sflag:s2] =	dma.local @!p0 [hbm:s0], s1  }
0x69: {  	s0 =	simm.s32 @!p0 $0x5  }
0x6a: {  	_ =	swait.ge @!p0 [sflag:s0], s1  }
0x6b: {  	s1 =	ssub.s32 @!p0 $0x0, s1;
	[sflag:s0] =	ssyncset.done @!p0 $0x0  }
0x6c: {  	[sflag:s0] =	ssyncadd.s32 @!p0 s1  }
0x6d: {  	[bflag:$0x3] =	sbarrier.arrive $0xFFFF  }
0x6e: {  	_ =	shalt  }

// kernel: kernel.19.cloned.1.call-start
scs
__scs_entry_jumppad:
0x0: {  	(pc) =	sbr.rel $0x88, $3  }
0x1: {  	(tag) =	ssettag $0x0;
	lr =	simm.s32 $0x1  }
0x2: {  	[smem:$0x3F8D] =	sst lr;
	_ =	strace $0xD0000000  }
0x3: {  	_ = 	snop  }
0x4: {  	_ = 	snop  }
0x5: {  	_ = 	snop  }
0x6: {  	_ = 	snop  }
0x7: {  	_ = 	snop  }
__scs_overlays_trampoline_lowered:
0x8: {  	[smem:$0x3F9C] =	sst s0  }
0x9: {  	[smem:$0x3F9D] =	sst s1  }
0xa: {  	[smem:$0x3F9E] =	sst s2  }
0xb: {  	[smem:$0x3F9F] =	sst s3  }
0xc: {  	[smem:$0x3FA0] =	sst s4  }
0xd: {  	[smem:$0x3FA1] =	sst s5  }
0xe: {  	[smem:$0x3FA2] =	sst s6  }
0xf: {  	[smem:$0x3FA3] =	sst s7  }
0x10: {  	[smem:$0x3FA4] =	sst s8  }
0x11: {  	[smem:$0x3FA5] =	sst s9;
	s0 =	simm.s32 @!p0 $0x0  }
0x12: {  	s1 =	sld [smem:$0x3F8B];
	s0 =	simm.s32 @p0 $0x1  }
0x13: {  	[smem:$0x3FA6] =	sst s0;
	s0 =	simm.s32 @!p1 $0x0  }
0x14: {  	s2 =	sld [smem:$0x3F8A];
	s0 =	simm.s32 @p1 $0x1  }
0x15: {  	[smem:$0x3FA7] =	sst s0;
	s0 =	simm.s32 @!p2 $0x0  }
0x16: {  	s3 =	sld [smem:$0x3FDB];
	s0 =	simm.s32 @p2 $0x1  }
0x17: {  	s4 =	simm.s32 $0x1BF5;
	[smem:$0x3FA9] =	sst s0  }
0x18: {  	s0 =	sld [smem:$0x3F8C];
	_ =	swait.ge [sflag:s4], $0x0  }
0x19: {  	s7 =	sld [smem:$0x3F8D]  }
0x1a: {  	s8 =	sadd.s32 $0xFFFFE003, lr  }
0x1b: {  	s9 =	sadd.s32 $0xFFFFFEF7, lr;
	s5 =	simm.s32 $0xFFFFFFFF;
	p2 =	slt.u32 s8, $0xFFFFF086  }
0x1c: {  	p1 =	slt.u32 s9, $0xF7A;
	s5 =	simm.s32 @!p2 $0x0  }
0x1d: {  	s5 =	simm.s32 @p1 $0x1;
	p0 =	seq.s32 s7, s2  }
0x1e: {  	s7 =	smul.u32 @!p0 $0xF7A, s2;
	p2 =	seq.s32 @!p0 s5, $0x0  }
0x1f: {  	s9 =	smul.u32 $0xF7A, s1;
	s8 =	simm.s32 @!p0 $0x1BF5;
	p2 =	por !p2, p0  }
0x20: {  	[sflag:s8] =	ssyncset.s32 @!p0 $0xFFFFF086;
	s6 =	sadd.s32 @!p0 s3, s7;
	s7 =	simm.s32 @!p0 $0x108  }
0x21: {  	s3 =	sadd.s32 s3, s9;
	s6 =	sadd.s32 @!p0 $0x88, s6;
	s7 =	simm.s32 @p2 $0x1082  }
0x22: {  	[simem:s7], [sflag:s8] =	dma.local @!p0 [hbm:s6], $0xF7A  }
0x23: {  	s9 =	sor.u32 $0xD0000000, s2;
	s6 =	simm.s32 $0x108;
	_ =	swait.ge @!p0 [sflag:s8], $0x0  }
0x24: {  	s3 =	sadd.s32 $0x88, s3;
	s6 =	simm.s32 @!p1 $0x1082;
	[sflag:s4] =	ssyncset.s32 $0xFFFFF086  }
0x25: {  	[simem:s6], [sflag:s4] =	dma.local [hbm:s3], $0xF7A  }
0x26: {  	[smem:$0x3F8D] =	sst s1;
	(tag) =	ssettag s2;
	_ =	strace s9  }
0x27: {  	s1 =	sld [smem:$0x3F9D]  }
0x28: {  	s2 =	sld [smem:$0x3F9E]  }
0x29: {  	s4 =	sld [smem:$0x3FA0]  }
0x2a: {  	p0 =	seq.s32 s5, $0x0;
	s5 =	sld [smem:$0x3FA1]  }
0x2b: {  	s6 =	sld [smem:$0x3FA2]  }
0x2c: {  	s7 =	sld [smem:$0x3FA3]  }
0x2d: {  	s3 =	simm.s32 $0x108;
	s8 =	sld [smem:$0x3FA4]  }
0x2e: {  	s3 =	simm.s32 @!p0 $0x1082;
	s9 =	sld [smem:$0x3FA5]  }
0x2f: {  	lr =	sadd.s32 s0, s3;
	s0 =	sld [smem:$0x3F9C]  }
0x30: {  	s3 =	sld [smem:$0x3F9F]  }
0x31: {  	[smem:$0x3FA8] =	sst s10  }
0x32: {  	s10 =	sld [smem:$0x3FA6];
	_ =	sdelay $0x3  }
0x33: {  	p0 =	seq.s32 s10, $0x1;
	s10 =	sld [smem:$0x3FA8];
	_ =	sdelay $0x3  }
0x34: {  	[smem:$0x3FA8] =	sst s10  }
0x35: {  	s10 =	sld [smem:$0x3FA7];
	_ =	sdelay $0x3  }
0x36: {  	p1 =	seq.s32 s10, $0x1;
	s10 =	sld [smem:$0x3FA8];
	_ =	sdelay $0x3  }
0x37: {  	[smem:$0x3FA8] =	sst s10  }
0x38: {  	s10 =	sld [smem:$0x3FA9]  }
0x39: {  	_ = 	snop;
	(pc) =	sbr.ind lr, $3  }
0x3a: {  	_ = 	snop  }
0x3b: {  	_ = 	snop  }
0x3c: {  	p2 =	seq.s32 s10, $0x1;
	s10 =	sld [smem:$0x3FA8]  }
0x3d: {  	_ =	shalt  }
0x3e: {  	_ =	shalt  }
0x3f: {  	_ =	shalt  }
0x40: {  	_ =	shalt  }
0x41: {  	_ =	shalt  }
0x42: {  	_ =	shalt  }
0x43: {  	_ =	shalt  }
0x44: {  	_ =	shalt  }
0x45: {  	_ =	shalt  }
0x46: {  	_ =	shalt  }
0x47: {  	_ =	shalt  }
0x48: {  	_ =	shalt  }
0x49: {  	_ =	shalt  }
0x4a: {  	_ =	shalt  }
0x4b: {  	_ =	shalt  }
0x4c: {  	_ =	shalt  }
0x4d: {  	_ =	shalt  }
0x4e: {  	_ =	shalt  }
0x4f: {  	_ =	shalt  }
0x50: {  	_ =	shalt  }
0x51: {  	_ =	shalt  }
0x52: {  	_ =	shalt  }
0x53: {  	_ =	shalt  }
0x54: {  	_ =	shalt  }
0x55: {  	_ =	shalt  }
0x56: {  	_ =	shalt  }
0x57: {  	_ =	shalt  }
0x58: {  	_ =	shalt  }
0x59: {  	_ =	shalt  }
0x5a: {  	_ =	shalt  }
0x5b: {  	_ =	shalt  }
0x5c: {  	_ =	shalt  }
0x5d: {  	_ =	shalt  }
0x5e: {  	_ =	shalt  }
0x5f: {  	_ =	shalt  }
0x60: {  	_ =	shalt  }
0x61: {  	_ =	shalt  }
0x62: {  	_ =	shalt  }
0x63: {  	_ =	shalt  }
0x64: {  	_ =	shalt  }
0x65: {  	_ =	shalt  }
0x66: {  	_ =	shalt  }
0x67: {  	_ =	shalt  }
0x68: {  	_ =	shalt  }
0x69: {  	_ =	shalt  }
0x6a: {  	_ =	shalt  }
0x6b: {  	_ =	shalt  }
0x6c: {  	_ =	shalt  }
0x6d: {  	_ =	shalt  }
0x6e: {  	_ =	shalt  }
0x6f: {  	_ =	shalt  }
0x70: {  	_ =	shalt  }
0x71: {  	_ =	shalt  }
0x72: {  	_ =	shalt  }
0x73: {  	_ =	shalt  }
0x74: {  	_ =	shalt  }
0x75: {  	_ =	shalt  }
0x76: {  	_ =	shalt  }
0x77: {  	_ =	shalt  }
0x78: {  	_ =	shalt  }
0x79: {  	_ =	shalt  }
0x7a: {  	_ =	shalt  }
0x7b: {  	_ =	shalt  }
0x7c: {  	_ =	shalt  }
0x7d: {  	_ =	shalt  }
0x7e: {  	_ =	shalt  }
0x7f: {  	_ =	shalt  }
0x80: {  	_ =	shalt  }
0x81: {  	_ =	shalt  }
0x82: {  	_ =	shalt  }
0x83: {  	_ =	shalt  }
0x84: {  	_ =	shalt  }
0x85: {  	_ =	shalt  }
0x86: {  	_ =	shalt  }
0x87: {  	_ =	shalt  }
.Lfunc_end0:
.L_simem_size_0:
called_computation.3_lowered:
.L_overlay_start_0:
0x88: {  	s2 =	sld [smem:$0x3FD9]  }
0x89: {  	s3 =	sld [smem:$0x3FFE];
	_ =	sdelay $0x1  }
0x8a: {  	s1 =	srdreg.scid  }
0x8b: {  	s0 =	sand.u32 $0x1, s1  }
0x8c: {  	s17 =	sshll.u32 s0, $0xA;
	s2 =	sadd.s32 s3, s2  }
0x8d: {  	s2 =	sadd.s32 s2, s17  }
0x8e: {  	[smem:$0x3FB4] =	sst s2  }
0x8f: {  	_ = 	snop  }
0x90: {  	s2 =	sld [smem:$0x3FD0];
	(tm) =	ssettm $0x1  }
0x91: {  	s18 =	sld [smem:$0x3FFB];
	_ =	sdelay $0x3  }
0x92: {  	_ =	strace s18  }
0x93: {  	s3 =	sld [smem:$0x3FFC];
	_ =	sdelay $0x3  }
0x94: {  	_ =	strace s3  }
0x95: {  	s3 =	sld [smem:$0x3FFD];
	_ =	sdelay $0x3  }
0x96: {  	_ =	strace s3  }
0x97: {  	_ =	strace $0x8FFFFFFF  }
0x98: {  	s19 =	sld [smem:$0x3FDB];
	_ =	sdelay $0x1  }
0x99: {  	s4 =	simm.s32 $_scs_section_size  }
0x9a: {  	s5 =	simm.s32 $_size__tile_overlayer_lowered;
	s6 =	simm.s32 $_tile_overlayer_lowered  }
0x9b: {  	s22 =	simm.s32 $0x1BFF;
	s21 =	sshll.u32 s6, $0x1;
	s3 =	sadd.s32 s4, s19  }
0x9c: {  	s7 =	simm.s32 $0x0;
	s20 =	sshll.u32 s5, $0x1;
	s5 =	sadd.s32 s21, s3  }
0x9d: {  	[timem:s7], [sflag:s22] =	dma.local [hbm:s5], s20  }
0x9e: {  	_ =	swait.ge [sflag:s22], s20  }
0x9f: {  	s4 =	ssub.s32 $0x0, s20;
	[sflag:s22] =	ssyncset.done $0x0  }
0xa0: {  	[sflag:s22] =	ssyncadd.s32 s4;
	_ =	sdelay $0x1  }
0xa1: {  	s23 =	simm.s32 $0x1B8B  }
0xa2: {  	_ =	swait.ge [sflag:s23], $0x1  }
0xa3: {  	[sflag:s23] =	ssyncset.done $0x0  }
0xa4: {  	s25 =	simm.s32 $0x1B8E;
	s24 =	sld [smem:$0x3FFE];
	[sflag:s23] =	ssyncadd.s32 $0xFFFFFFFF  }
0xa5: {  	s26 =	simm.s32 $execute0_lowered;
	[smem:$0x3FD2] =	sst s25  }
0xa6: {  	s5 =	sshll.u32 s26, $0x1;
	_ =	strace $0x8000004F;
	[dreg:$0x1] =	wrdreg $0xFFFFFFFF  }
0xa7: {  	s28 =	simm.s32 $_size_execute0_lowered;
	s3 =	sadd.s32 s3, s5;
	[dreg:$0x0] =	wrdreg $0x0  }
0xa8: {  	s5 =	sshll.u32 s28, $0x1;
	[dreg:$0x2] =	wrdreg s3  }
0xa9: {  	[dreg:$0x3] =	wrdreg s5  }
0xaa: {  	[dreg:$0x4] =	wrdreg $0xC0  }
0xab: {  	_ =	task [dreg:s7], $0x5FFFF  }
0xac: {  	[dreg:$0x1] =	wrdreg $0xFFFFFFFF  }
0xad: {  	[dreg:$0x0] =	wrdreg $0x60  }
0xae: {  	[dreg:$0x2] =	wrdreg s2  }
0xaf: {  	[dreg:$0x3] =	wrdreg s24  }
0xb0: {  	[dreg:$0x4] =	wrdreg $0xA9000  }
0xb1: {  	[dreg:$0x5] =	wrdreg $0x9  }
0xb2: {  	_ =	task.clear_ibuf [dreg:s7], $0x6FFFF;
	_ =	strace $0x9000004F  }
0xb3: {  	s29 =	simm.s32 $0x9;
	_ =	strace $0x80000051  }
0xb4: {  	_ =	swait.ge [sflag:s29], $0x1  }
0xb5: {  	[sflag:s29] =	ssyncadd.s32 $0xFFFFFFFF  }
0xb6: {  	_ =	strace $0x90000051  }
0xb7: {  	_ =	sfence  }
0xb8: {  	s30 =	sld [smem:$0x0];
	_ =	sdelay $0x2  }
0xb9: {  	s31 =	sshll.u32 s1, $0xD;
	s1 =	sshrl.u32 s1, $0x2  }
0xba: {  	s3 =	sand.u32 $0x4000, s31;
	s1 =	sadd.s32 s1, s30  }
0xbb: {  	s0 =	sor.u32 s3, s0;
	s1 =	sshll.u32 s1, $0x11  }
0xbc: {  	s0 =	sor.u32 s1, s0  }
0xbd: {  	s0 =	sadd.s32 $0x8F2B, s0  }
0xbe: {  	[sflag:s0] =	ssyncadd.remote.s32 $0x1  }
0xbf: {  	_ =	sfence.sel $0xFFFF  }
0xc0: {  	[dreg:$0x0] =	wrdreg $0xFFFFFFFF;
	(pc) =	sbr.abs _section_cstart, $3  }
0xc1: {  	[dreg:$0x1] =	wrdreg $0xFFFFFFFF  }
0xc2: {  	_ =	task.clear_ibuf [dreg:s7], $0x2FFFF;
	_ =	strace $0x9FFFFFFF  }
0xc3: {  	(tm) =	ssettm $0x7FFFFFFF  }
tec
execute0_lowered:
.L_overlay_start_1:
0x0: {  	(tag) =	ssettag $0x1  }
0x1: {  	s8 =	rddreg [dreg:$0x0]  }
0x2: {  	s7 =	rddreg [dreg:$0x1]  }
0x3: {  	s0 =	srdreg.scid;
	s2 =	rddreg [dreg:$0x2]  }
0x4: {  	s3 =	simm.s32 $0x0;
	s19 =	simm.s32 $0x6800;
	s20 =	simm.s32 $0xA880  }
0x5: {  	s21 =	simm.s32 $0x1;
	s22 =	simm.s32 $0x3;
	s23 =	simm.s32 $0x2  }
0x6: {  	s24 =	simm.s32 $0x4;
	s25 =	simm.s32 $0x0;
	s6 =	sand.u32 $0x1, s0  }
0x7: {  	s0 =	stileid.u32;
	[smem:$0x7FF] =	sst s3;
	s4 =	sadd.s32 $0x19800, s7  }
0x8: {  	s5 =	sadd.s32 $0x23800, s7;
	s1 =	sshll.u32 s6, $0x4;
	s12 =	smul.u32 $0x4E200, s0  }
0x9: {  	s13 =	ssub.s32 $0x2, s6;
	s14 =	smul.u32 $0x500, s6;
	s6 =	sadd.s32 $0x5C00, s7  }
0xa: {  	s16 =	smul.u32 $0x50, s0;
	s17 =	sshll.u32 s0, $0x6;
	s9 =	sor.u32 s0, s1  }
0xb: {  	s1 =	rddreg [dreg:$0x3];
	_ =	strace $0x80000050;
	s10 =	smul.u32 $0x2780, s9  }
0xc: {  	s15 =	sshrl.u32 s13, $0x1;
	s17 =	sor.u32 $0x1C05, s17;
	s11 =	smul.u32 $0x500, s9  }
0xd: {  	s13 =	ssub.s32 s13, s15;
	s12 =	sshrl.u32 s12, $0x2;
	s14 =	sadd.s32 s16, s14  }
0xe: {  	s15 =	simm.s32 $0x2800;
	s16 =	simm.s32 $0xA800;
	s18 =	sadd.s32 s12, s2  }
0xf: {  	s31 =	sshll.u32 s14, $0x4;
	s14 =	simm.s32 $0x7D;
	s10 =	sadd.s32 s10, s7  }
0x10: {  	s7 =	smul.u32 $0x50, s9;
	s8 =	sadd.s32 s8, s11;
	s9 =	sadd.s32 s4, s11  }
0x11: {  	s11 =	smax.u32 s13, $0x1;
	s12 =	sadd.s32 s31, s4;
	s13 =	simm.s32 $0x5  }
0x12: {  	s18 =	sshrl.u32 s18, $0x3;
	s10 =	sadd.s32 $0x4AA00, s10;
	s12 =	sadd.s32 $0x10, s12  }
.LBB2_1:
0x13: {  	[tilespmem:s3], [sflag:$0x5] =	stream.linear.gather [hbm4b:s8+s3], $0x2800, $0x38;
	[tilespmem:$0x1E180] =	vst v63  }
0x14: {  	_ =	swait.ge [sflag:s13], $0x2800  }
0x15: {  	[sflag:s13] =	ssyncset.done $0x0  }
0x16: {  	[sflag:s13] =	ssyncadd.s32 $0xFFFFD800  }
0x17: {  	[tilespmem:s15], [sflag:$0x1] =	stream.indirect.gather [hbm4b:s5+s14], $0x80, s3, s14, $0xb8;
	[tilespmem:$0x1E180] =	vst v63  }
0x18: {  	_ = 	snop  }
0x19: {  	[tilespmem:s16], [sflag:$0x3] =	stream.linear.gather [hbm4b:s9+s3], $0x80, $0x38;
	[tilespmem:$0x1E180] =	vst v63  }
0x1a: {  	[spmem:s18], [sflag:s17] =	dma.local [hbm:s6], $0x2710  }
0x1b: {  	_ =	swait.ge [sflag:s13], $0x2710  }
0x1c: {  	[sflag:s13] =	ssyncset.done $0x0  }
0x1d: {  	[sflag:s13] =	ssyncadd.s32 $0xFFFFD8F0  }
0x1e: {  	s26 =	simm.s32 $0x80;
	[bflag:$0x0] =	sbarrier.arrive $0xFFFF  }
0x1f: {  	[tilespmem:s19], [sflag:$0x2] =	stream.indirect.gather [hbm4b:s5+s14], $0x80, s26, s14, $0xb8;
	[tilespmem:$0x1E180] =	vst v63  }
0x20: {  	_ = 	snop  }
0x21: {  	[tilespmem:s20], [sflag:$0x4] =	stream.linear.gather [hbm4b:s12+s3], $0x80, $0x38;
	[tilespmem:$0x1E180] =	vst v63  }
0x22: {  	_ =	swait.ge [sflag:s21], $0x3E80  }
0x23: {  	[sflag:s21] =	ssyncset.done $0x0  }
0x24: {  	[sflag:s21] =	ssyncadd.s32 $0xFFFFC180  }
0x25: {  	_ =	swait.ge [sflag:s22], $0x80  }
0x26: {  	s28 =	smin.u32 s3, $0x4C;
	[sflag:s22] =	ssyncset.done $0x0  }
0x27: {  	s28 =	sadd.s32 $0x2, s28;
	[sflag:s22] =	ssyncadd.s32 $0xFFFFFF80  }
0x28: {  	[spmem:s2] =	stream.indirect.scatter.add.f32 [tilespmem:s15], [sflag:$0x5], $0x80, s16, s14, $0xb8;
	[tilespmem:$0x1E180] =	vst v63  }
0x29: {  	s29 =	sadd.s32 s7, s28;
	_ =	swait.ge [sflag:s13], $0x3E80  }
0x2a: {  	s29 =	sshll.u32 s29, $0x4;
	[sflag:s13] =	ssyncset.done $0x0  }
0x2b: {  	s28 =	sshll.u32 s28, $0x7;
	s29 =	sand.u32 $0x1FFE0, s29;
	[sflag:s13] =	ssyncadd.s32 $0xFFFFC180  }
0x2c: {  	[tilespmem:s15], [sflag:$0x1] =	stream.indirect.gather [hbm4b:s5+s14], $0x80, s28, s14, $0xb8;
	[tilespmem:$0x1E180] =	vst v63  }
0x2d: {  	s28 =	sadd.s32 s4, s29  }
0x2e: {  	[tilespmem:s16], [sflag:$0x3] =	stream.linear.gather [hbm4b:s28+s3], $0x80, $0x38;
	[tilespmem:$0x1E180] =	vst v63  }
0x2f: {  	_ =	swait.ge [sflag:s23], $0x3E80  }
0x30: {  	[sflag:s23] =	ssyncset.done $0x0  }
0x31: {  	[sflag:s23] =	ssyncadd.s32 $0xFFFFC180  }
0x32: {  	_ =	swait.ge [sflag:s24], $0x80  }
0x33: {  	[sflag:s24] =	ssyncset.done $0x0  }
0x34: {  	[sflag:s24] =	ssyncadd.s32 $0xFFFFFF80  }
0x35: {  	[spmem:s2] =	stream.indirect.scatter.add.f32 [tilespmem:s19], [sflag:$0x5], $0x80, s20, s14, $0xb8;
	[tilespmem:$0x1E180] =	vst v63  }
0x36: {  	s29 =	smov.u32 s12;
	s28 =	simm.s32 $0x2;
	_ =	swait.ge [sflag:s13], $0x3E80  }
.LBB2_2:
0x37: {  	[sflag:s13] =	ssyncset.done $0x0  }
0x38: {  	s26 =	sadd.s32 $0x100, s26;
	s29 =	sadd.s32 $0x20, s29;
	s30 =	smov.u32 s28  }
0x39: {  	p0 =	sne.s32 s28, $0x4E;
	s28 =	sadd.s32 $0x2, s28;
	[sflag:s13] =	ssyncadd.s32 $0xFFFFC180  }
0x3a: {  	[tilespmem:s19], [sflag:$0x2] =	stream.indirect.gather [hbm4b:s5+s14], $0x80, s26, s14, $0xb8;
	[tilespmem:$0x1E180] =	vst v63  }
0x3b: {  	_ = 	snop  }
0x3c: {  	[tilespmem:s20], [sflag:$0x4] =	stream.linear.gather [hbm4b:s29+s3], $0x80, $0x38;
	[tilespmem:$0x1E180] =	vst v63  }
0x3d: {  	_ =	swait.ge [sflag:s21], $0x3E80  }
0x3e: {  	[sflag:s21] =	ssyncset.done $0x0  }
0x3f: {  	[sflag:s21] =	ssyncadd.s32 $0xFFFFC180  }
0x40: {  	_ =	swait.ge [sflag:s22], $0x80  }
0x41: {  	s30 =	smin.u32 s30, $0x4C;
	[sflag:s22] =	ssyncset.done $0x0  }
0x42: {  	s30 =	sadd.s32 $0x2, s30;
	[sflag:s22] =	ssyncadd.s32 $0xFFFFFF80  }
0x43: {  	[spmem:s2] =	stream.indirect.scatter.add.f32 [tilespmem:s15], [sflag:$0x5], $0x80, s16, s14, $0xb8;
	[tilespmem:$0x1E180] =	vst v63  }
0x44: {  	s31 =	sadd.s32 s7, s30;
	_ =	swait.ge [sflag:s13], $0x3E80  }
0x45: {  	s30 =	sshll.u32 s30, $0x7;
	s31 =	sshll.u32 s31, $0x4;
	[sflag:s13] =	ssyncset.done $0x0  }
0x46: {  	s31 =	sand.u32 $0x1FFE0, s31;
	[sflag:s13] =	ssyncadd.s32 $0xFFFFC180  }
0x47: {  	[tilespmem:s15], [sflag:$0x1] =	stream.indirect.gather [hbm4b:s5+s14], $0x80, s30, s14, $0xb8;
	[tilespmem:$0x1E180] =	vst v63  }
0x48: {  	s30 =	sadd.s32 s4, s31  }
0x49: {  	[tilespmem:s16], [sflag:$0x3] =	stream.linear.gather [hbm4b:s30+s3], $0x80, $0x38;
	[tilespmem:$0x1E180] =	vst v63  }
0x4a: {  	_ =	swait.ge [sflag:s23], $0x3E80  }
0x4b: {  	[sflag:s23] =	ssyncset.done $0x0  }
0x4c: {  	[sflag:s23] =	ssyncadd.s32 $0xFFFFC180  }
.Ltmp0:
0x4d: {  	_ =	swait.ge [sflag:s24], $0x80;
	(pc) =	sbr.rel @p0 .LBB2_2-.Ltmp0, $4  }
0x4e: {  	[sflag:s24] =	ssyncset.done $0x0  }
0x4f: {  	[sflag:s24] =	ssyncadd.s32 $0xFFFFFF80  }
0x50: {  	[spmem:s2] =	stream.indirect.scatter.add.f32 [tilespmem:s19], [sflag:$0x5], $0x80, s20, s14, $0xb8;
	[tilespmem:$0x1E180] =	vst v63  }
0x51: {  	_ =	swait.ge [sflag:s13], $0x3E80  }
0x52: {  	[sflag:s13] =	ssyncset.done $0x0  }
0x53: {  	[sflag:s13] =	ssyncadd.s32 $0xFFFFC180  }
0x54: {  	_ =	swait.ge [sflag:s21], $0x3E80  }
0x55: {  	[sflag:s21] =	ssyncset.done $0x0  }
0x56: {  	[sflag:s21] =	ssyncadd.s32 $0xFFFFC180  }
0x57: {  	_ =	swait.ge [sflag:s22], $0x80  }
0x58: {  	s25 =	sadd.s32 $0x1, s25;
	[sflag:s22] =	ssyncset.done $0x0  }
0x59: {  	p0 =	sne.s32 s25, s11;
	[sflag:s22] =	ssyncadd.s32 $0xFFFFFF80  }
.Ltmp1:
0x5a: {  	[bflag:$0x0] =	sbarrier.arrive $0xFFFF;
	(pc) =	sbr.rel @p0 .LBB2_1-.Ltmp1, $4  }
0x5b: {  	[hbm:s10], [sflag:s17] =	dma.local [spmem:s18], $0x2710  }
0x5c: {  	_ =	swait.ge [sflag:s13], $0x2710  }
0x5d: {  	[sflag:s13] =	ssyncset.done $0x0  }
0x5e: {  	[sflag:s13] =	ssyncadd.s32 $0xFFFFD8F0  }
0x5f: {  	_ =	sfence.sel $0x180000  }
0x60: {  	[bflag:$0x0] =	sbarrier.arrive $0xFFFF  }
0x61: {  	p0 =	sne.s32 s0, $0x0;
	_ =	strace $0x90000050  }
0x62: {  	s0 =	sadd.s32 @!p0 $0x100000, s1;
	[bflag:$0x2] =	sbarrier.arrive $0xFFFF  }
0x63: {  	[sflag:s0] =	ssyncadd.tile.s32 @!p0 $0x1;
	_ =	shalt  }
.Lfunc_end2:
_tile_overlayer_lowered:
.L_overlay_start_2:
0x64: {  	(tag) =	ssettag $0x2  }
0x65: {  	s0 =	rddreg [dreg:$0x0];
	s2 =	stileid.u32  }
0x66: {  	s1 =	rddreg [dreg:$0x1];
	p0 =	sne.s32 s2, $0x0  }
0x67: {  	s3 =	rddreg [dreg:$0x2];
	[bflag:$0x3] =	sbarrier.arrive $0xFFFF;
	s2 =	simm.s32 @!p0 $0x1C05  }
0x68: {  	[timem:s3], [sflag:s2] =	dma.local @!p0 [hbm:s0], s1  }
0x69: {  	s0 =	simm.s32 @!p0 $0x5  }
0x6a: {  	_ =	swait.ge @!p0 [sflag:s0], s1  }
0x6b: {  	s1 =	ssub.s32 @!p0 $0x0, s1;
	[sflag:s0] =	ssyncset.done @!p0 $0x0  }
0x6c: {  	[sflag:s0] =	ssyncadd.s32 @!p0 s1  }
0x6d: {  	[bflag:$0x3] =	sbarrier.arrive $0xFFFF  }
0x6e: {  	_ =	shalt  }

</sc_bundles>
